<compile_context>
chip_gen: v7x
topology: tpu7x:2x2x1
jax: 0.10.2.dev20260603
libtpu: 0.0.44.dev20260713+nightly
codegen_flags: <defaults>
</compile_context>

<pallas_src>
import jax
import jax.numpy as jnp
from jax import lax
from jax.experimental import pallas as pl
from jax.experimental.pallas import tpu as pltpu
from jax.experimental.pallas import tpu_sc as plsc

N = 4_000_000
L = 16
VEC_LO = 7812
CHUNK_V = 868
CHUNK = CHUNK_V * L
NCHUNKS = VEC_LO // CHUNK_V
UNROLL = 14


def _body(z_hbm, tab_hbm, out_hbm, tab_v,
          z0, z1, g0, g1, in0, in1, out0, out1):
    cid = lax.axis_index("c")
    sid = lax.axis_index("s")
    wid = sid * 2 + cid
    base = (VEC_LO * wid + jnp.minimum(wid, 16)) * L

    z_bufs, g_bufs = (z0, z1), (g0, g1)
    in_sems, out_sems = (in0, in1), (out0, out1)

    pltpu.sync_copy(tab_hbm, tab_v)

    def in_copy(c, b):
        off = base + c * CHUNK
        return pltpu.make_async_copy(z_hbm.at[pl.ds(off, CHUNK)],
                                     z_bufs[b], in_sems[b])

    def out_copy(c, b):
        off = base + c * CHUNK
        return pltpu.make_async_copy(g_bufs[b],
                                     out_hbm.at[pl.ds(off, CHUNK)],
                                     out_sems[b])

    in_copy(0, 0).start()

    for c in range(NCHUNKS):
        b = c % 2
        if c + 1 < NCHUNKS:
            in_copy(c + 1, 1 - b).start()
        if c >= 2:
            out_copy(c - 2, b).wait()
        in_copy(c, b).wait()

        zb, gb = z_bufs[b], g_bufs[b]

        @plsc.parallel_loop(0, CHUNK, step=L, unroll=UNROLL)
        def _inner(s):
            zv = zb[pl.ds(s, L)]
            gb[pl.ds(s, L)] = plsc.load_gather(tab_v, [zv])

        out_copy(c, b).start()

    out_copy(NCHUNKS - 2, NCHUNKS % 2).wait()
    out_copy(NCHUNKS - 1, (NCHUNKS - 1) % 2).wait()

    @pl.when(wid < 16)
    def _tail():
        off = base + VEC_LO * L
        pltpu.sync_copy(z_hbm.at[pl.ds(off, L)], z0.at[pl.ds(0, L)])
        zv = z0[pl.ds(0, L)]
        g0[pl.ds(0, L)] = plsc.load_gather(tab_v, [zv])
        pltpu.sync_copy(g0.at[pl.ds(0, L)], out_hbm.at[pl.ds(off, L)])


def kernel(x, z, atomref_weight):
    zi = z.astype(jnp.int32)
    tab = atomref_weight.reshape(100)
    mesh = plsc.VectorSubcoreMesh(core_axis_name="c", subcore_axis_name="s")
    k = pl.kernel(
        _body,
        out_type=jax.ShapeDtypeStruct((N,), jnp.float32),
        mesh=mesh,
        compiler_params=pltpu.CompilerParams(
            needs_layout_passes=False, use_tc_tiling_on_sc=False),
        scratch_types=[
            pltpu.VMEM((100,), jnp.float32),
            pltpu.VMEM((CHUNK,), jnp.int32),
            pltpu.VMEM((CHUNK,), jnp.int32),
            pltpu.VMEM((CHUNK,), jnp.float32),
            pltpu.VMEM((CHUNK,), jnp.float32),
            pltpu.SemaphoreType.DMA,
            pltpu.SemaphoreType.DMA,
            pltpu.SemaphoreType.DMA,
            pltpu.SemaphoreType.DMA,
        ],
    )
    g = k(zi, tab)
    return x + g.reshape(N, 1)

# --- scband reference (transcript-rebuilt; emitter-appended) ---
"""Pipeline reference for scband-atomref-84748294684826 (READ-ONLY COPY).

The authoritative reference and input builder live on the scoring server;
editing this copy changes nothing except your own understanding.
"""

import jax, jax.numpy as jnp
import numpy as np

N = 4000000
MAX_Z = 100

def setup_inputs(seed: int = 0) -> dict:
    key = jax.random.key(seed)
    k1, k2, k3 = jax.random.split(key, 3)
    x = jax.random.normal(k1, (N, 1), dtype=jnp.float32)
    z = jax.random.randint(k2, (N,), 0, MAX_Z, dtype=jnp.int64)
    # Embedding weight for atom reference values (max_z x 1).
    atomref_weight = jax.random.normal(k3, (MAX_Z, 1), dtype=jnp.float32)
    return {"x": x, "z": z, "atomref_weight": atomref_weight}

def reference(x, z, atomref_weight):
    # Atomref.forward: x + self.atomref(z)
    ref = jnp.take(atomref_weight, z, axis=0)  # [N, 1] gather
    return x + ref

if __name__ == "__main__":
    import jax
    _d = setup_inputs()
    print(jax.jit(kernel)(*tuple(_d.values())))

</pallas_src>

<mosaic_0001>
#map = affine_map<(d0, d1) -> (0)>
module attributes {stable_mosaic.version = 14 : i64} {
  func.func @_body(%arg0: i32, %arg1: i32, %arg2: memref<4000000xi32, #tpu.memory_space<hbm>>, %arg3: memref<100xf32, #tpu.memory_space<hbm>>, %arg4: memref<4000000xf32, #tpu.memory_space<hbm>>, %arg5: memref<100xf32, #tpu.memory_space<vmem>>, %arg6: memref<13888xi32, #tpu.memory_space<vmem>>, %arg7: memref<13888xi32, #tpu.memory_space<vmem>>, %arg8: memref<13888xf32, #tpu.memory_space<vmem>>, %arg9: memref<13888xf32, #tpu.memory_space<vmem>>, %arg10: memref<!tpu.dma_semaphore, #tpu.memory_space<semaphore_mem>>, %arg11: memref<!tpu.dma_semaphore, #tpu.memory_space<semaphore_mem>>, %arg12: memref<!tpu.dma_semaphore, #tpu.memory_space<semaphore_mem>>, %arg13: memref<!tpu.dma_semaphore, #tpu.memory_space<semaphore_mem>>) attributes {dimension_semantics = [#tpu.dimension_semantics<core_parallel>, #tpu.dimension_semantics<subcore_parallel>], iteration_bounds = array<i64: 2, 16>, scalar_prefetch = 0 : i64, scratch_operands = 9 : i64, tpu.core_type = #tpu.core_type<sc_vector_subcore>, window_params = [{transform_indices = #map}, {transform_indices = #map}, {transform_indices = #map}]} {
    %mul3A = arith.constant 2 : i32
    %mul3A_0 = arith.muli %arg1, %mul3A : i32
    %add3A = arith.addi %mul3A_0, %arg0 : i32
    %mul3A_1 = arith.constant 7812 : i32
    %mul3A_2 = arith.muli %mul3A_1, %add3A : i32
    %min3A = arith.constant 16 : i32
    %min3A_3 = arith.minsi %add3A, %min3A : i32
    %add3A_4 = arith.addi %mul3A_2, %min3A_3 : i32
    %mul3A_5 = arith.constant 16 : i32
    %mul3A_6 = arith.muli %add3A_4, %mul3A_5 : i32
    "tpu.region"() ({
      %run_scoped3A = tpu.sem_alloc : memref<!tpu.dma_semaphore, #tpu.memory_space<semaphore_mem>>
      tpu.enqueue_dma source(%arg3 : memref<100xf32, #tpu.memory_space<hbm>>) target(%arg5 : memref<100xf32, #tpu.memory_space<vmem>>) target_semaphore(%run_scoped3A : memref<!tpu.dma_semaphore, #tpu.memory_space<semaphore_mem>>)
      tpu.wait_dma2 semaphore(%run_scoped3A : memref<!tpu.dma_semaphore, #tpu.memory_space<semaphore_mem>>) src(%arg3 : memref<100xf32, #tpu.memory_space<hbm>>) dst(%arg5 : memref<100xf32, #tpu.memory_space<vmem>>)
      tpu.yield
    }) : () -> ()
    %add3A_7 = arith.constant 0 : i32
    %add3A_8 = arith.addi %mul3A_6, %add3A_7 : i32
    %dma_start3A = tpu.memref_slice %arg2[%add3A_8] : memref<4000000xi32, #tpu.memory_space<hbm>> -> memref<13888xi32, #tpu.memory_space<hbm>>
    %dma_start3A_9 = tpu.memref_slice %arg2[%add3A_8] : memref<4000000xi32, #tpu.memory_space<hbm>> -> memref<13888xi32, #tpu.memory_space<hbm>>
    tpu.enqueue_dma source(%dma_start3A_9 : memref<13888xi32, #tpu.memory_space<hbm>>) target(%arg6 : memref<13888xi32, #tpu.memory_space<vmem>>) target_semaphore(%arg10 : memref<!tpu.dma_semaphore, #tpu.memory_space<semaphore_mem>>)
    %add3A_10 = arith.constant 13888 : i32
    %add3A_11 = arith.addi %mul3A_6, %add3A_10 : i32
    %dma_start3A_12 = tpu.memref_slice %arg2[%add3A_11] : memref<4000000xi32, #tpu.memory_space<hbm>> -> memref<13888xi32, #tpu.memory_space<hbm>>
    %dma_start3A_13 = tpu.memref_slice %arg2[%add3A_11] : memref<4000000xi32, #tpu.memory_space<hbm>> -> memref<13888xi32, #tpu.memory_space<hbm>>
    tpu.enqueue_dma source(%dma_start3A_13 : memref<13888xi32, #tpu.memory_space<hbm>>) target(%arg7 : memref<13888xi32, #tpu.memory_space<vmem>>) target_semaphore(%arg11 : memref<!tpu.dma_semaphore, #tpu.memory_space<semaphore_mem>>)
    %add3A_14 = arith.constant 0 : i32
    %add3A_15 = arith.addi %mul3A_6, %add3A_14 : i32
    %dma_wait3A = tpu.memref_slice %arg2[%add3A_15] : memref<4000000xi32, #tpu.memory_space<hbm>> -> memref<13888xi32, #tpu.memory_space<hbm>>
    %dma_wait3A_16 = tpu.memref_slice %arg2[%add3A_15] : memref<4000000xi32, #tpu.memory_space<hbm>> -> memref<13888xi32, #tpu.memory_space<hbm>>
    tpu.wait_dma2 semaphore(%arg10 : memref<!tpu.dma_semaphore, #tpu.memory_space<semaphore_mem>>) src(%dma_wait3A_16 : memref<13888xi32, #tpu.memory_space<hbm>>) dst(%arg6 : memref<13888xi32, #tpu.memory_space<vmem>>)
    %parallel_loop3A = arith.constant 0 : i32
    %parallel_loop3A_17 = arith.constant 13888 : i32
    %parallel_loop3A_18 = arith.constant 16 : i32
    scf.for %parallel_loop3A_177 = %parallel_loop3A to %parallel_loop3A_17 step %parallel_loop3A_18  : i32 {
      %parallel_loop3A_178 = arith.index_cast %parallel_loop3A_177 : i32 to index
      %parallel_loop3A_179 = tpu.vector_load %arg6[%parallel_loop3A_178] {strides = array<i32>} : memref<13888xi32, #tpu.memory_space<vmem>>, vector<16xi32>,
      %parallel_loop3A_180 = tpu.vector_load_idx %arg5[%parallel_loop3A_179] : memref<100xf32, #tpu.memory_space<vmem>>[vector<16xi32>], vector<16xf32>,
      %parallel_loop3A_181 = arith.index_cast %parallel_loop3A_177 : i32 to index
      %parallel_loop3A_182 = tpu.vector_load %arg8[%parallel_loop3A_181] {strides = array<i32>} : memref<13888xf32, #tpu.memory_space<vmem>>, vector<16xf32>,
      tpu.vector_store %arg8[%parallel_loop3A_181], %parallel_loop3A_180 {strides = array<i32>} : memref<13888xf32, #tpu.memory_space<vmem>>, vector<16xf32>,
    } {sc.loop_unroll_factor = 14 : i64, sc.parallel_access}
    %add3A_19 = arith.constant 0 : i32
    %add3A_20 = arith.addi %mul3A_6, %add3A_19 : i32
    %dma_start3A_21 = tpu.memref_slice %arg4[%add3A_20] : memref<4000000xf32, #tpu.memory_space<hbm>> -> memref<13888xf32, #tpu.memory_space<hbm>>
    %dma_start3A_22 = tpu.memref_slice %arg4[%add3A_20] : memref<4000000xf32, #tpu.memory_space<hbm>> -> memref<13888xf32, #tpu.memory_space<hbm>>
    tpu.enqueue_dma source(%arg8 : memref<13888xf32, #tpu.memory_space<vmem>>) target(%dma_start3A_22 : memref<13888xf32, #tpu.memory_space<hbm>>) target_semaphore(%arg12 : memref<!tpu.dma_semaphore, #tpu.memory_space<semaphore_mem>>)
    %add3A_23 = arith.constant 27776 : i32
    %add3A_24 = arith.addi %mul3A_6, %add3A_23 : i32
    %dma_start3A_25 = tpu.memref_slice %arg2[%add3A_24] : memref<4000000xi32, #tpu.memory_space<hbm>> -> memref<13888xi32, #tpu.memory_space<hbm>>
    %dma_start3A_26 = tpu.memref_slice %arg2[%add3A_24] : memref<4000000xi32, #tpu.memory_space<hbm>> -> memref<13888xi32, #tpu.memory_space<hbm>>
    tpu.enqueue_dma source(%dma_start3A_26 : memref<13888xi32, #tpu.memory_space<hbm>>) target(%arg6 : memref<13888xi32, #tpu.memory_space<vmem>>) target_semaphore(%arg10 : memref<!tpu.dma_semaphore, #tpu.memory_space<semaphore_mem>>)
    %add3A_27 = arith.constant 13888 : i32
    %add3A_28 = arith.addi %mul3A_6, %add3A_27 : i32
    %dma_wait3A_29 = tpu.memref_slice %arg2[%add3A_28] : memref<4000000xi32, #tpu.memory_space<hbm>> -> memref<13888xi32, #tpu.memory_space<hbm>>
    %dma_wait3A_30 = tpu.memref_slice %arg2[%add3A_28] : memref<4000000xi32, #tpu.memory_space<hbm>> -> memref<13888xi32, #tpu.memory_space<hbm>>
    tpu.wait_dma2 semaphore(%arg11 : memref<!tpu.dma_semaphore, #tpu.memory_space<semaphore_mem>>) src(%dma_wait3A_30 : memref<13888xi32, #tpu.memory_space<hbm>>) dst(%arg7 : memref<13888xi32, #tpu.memory_space<vmem>>)
    %parallel_loop3A_31 = arith.constant 0 : i32
    %parallel_loop3A_32 = arith.constant 13888 : i32
    %parallel_loop3A_33 = arith.constant 16 : i32
    scf.for %parallel_loop3A_177 = %parallel_loop3A_31 to %parallel_loop3A_32 step %parallel_loop3A_33  : i32 {
      %parallel_loop3A_178 = arith.index_cast %parallel_loop3A_177 : i32 to index
      %parallel_loop3A_179 = tpu.vector_load %arg7[%parallel_loop3A_178] {strides = array<i32>} : memref<13888xi32, #tpu.memory_space<vmem>>, vector<16xi32>,
      %parallel_loop3A_180 = tpu.vector_load_idx %arg5[%parallel_loop3A_179] : memref<100xf32, #tpu.memory_space<vmem>>[vector<16xi32>], vector<16xf32>,
      %parallel_loop3A_181 = arith.index_cast %parallel_loop3A_177 : i32 to index
      %parallel_loop3A_182 = tpu.vector_load %arg9[%parallel_loop3A_181] {strides = array<i32>} : memref<13888xf32, #tpu.memory_space<vmem>>, vector<16xf32>,
      tpu.vector_store %arg9[%parallel_loop3A_181], %parallel_loop3A_180 {strides = array<i32>} : memref<13888xf32, #tpu.memory_space<vmem>>, vector<16xf32>,
    } {sc.loop_unroll_factor = 14 : i64, sc.parallel_access}
    %add3A_34 = arith.constant 13888 : i32
    %add3A_35 = arith.addi %mul3A_6, %add3A_34 : i32
    %dma_start3A_36 = tpu.memref_slice %arg4[%add3A_35] : memref<4000000xf32, #tpu.memory_space<hbm>> -> memref<13888xf32, #tpu.memory_space<hbm>>
    %dma_start3A_37 = tpu.memref_slice %arg4[%add3A_35] : memref<4000000xf32, #tpu.memory_space<hbm>> -> memref<13888xf32, #tpu.memory_space<hbm>>
    tpu.enqueue_dma source(%arg9 : memref<13888xf32, #tpu.memory_space<vmem>>) target(%dma_start3A_37 : memref<13888xf32, #tpu.memory_space<hbm>>) target_semaphore(%arg13 : memref<!tpu.dma_semaphore, #tpu.memory_space<semaphore_mem>>)
    %add3A_38 = arith.constant 41664 : i32
    %add3A_39 = arith.addi %mul3A_6, %add3A_38 : i32
    %dma_start3A_40 = tpu.memref_slice %arg2[%add3A_39] : memref<4000000xi32, #tpu.memory_space<hbm>> -> memref<13888xi32, #tpu.memory_space<hbm>>
    %dma_start3A_41 = tpu.memref_slice %arg2[%add3A_39] : memref<4000000xi32, #tpu.memory_space<hbm>> -> memref<13888xi32, #tpu.memory_space<hbm>>
    tpu.enqueue_dma source(%dma_start3A_41 : memref<13888xi32, #tpu.memory_space<hbm>>) target(%arg7 : memref<13888xi32, #tpu.memory_space<vmem>>) target_semaphore(%arg11 : memref<!tpu.dma_semaphore, #tpu.memory_space<semaphore_mem>>)
    %add3A_42 = arith.constant 0 : i32
    %add3A_43 = arith.addi %mul3A_6, %add3A_42 : i32
    %dma_wait3A_44 = tpu.memref_slice %arg4[%add3A_43] : memref<4000000xf32, #tpu.memory_space<hbm>> -> memref<13888xf32, #tpu.memory_space<hbm>>
    %dma_wait3A_45 = tpu.memref_slice %arg4[%add3A_43] : memref<4000000xf32, #tpu.memory_space<hbm>> -> memref<13888xf32, #tpu.memory_space<hbm>>
    tpu.wait_dma2 semaphore(%arg12 : memref<!tpu.dma_semaphore, #tpu.memory_space<semaphore_mem>>) src(%arg8 : memref<13888xf32, #tpu.memory_space<vmem>>) dst(%dma_wait3A_45 : memref<13888xf32, #tpu.memory_space<hbm>>)
    %add3A_46 = arith.constant 27776 : i32
    %add3A_47 = arith.addi %mul3A_6, %add3A_46 : i32
    %dma_wait3A_48 = tpu.memref_slice %arg2[%add3A_47] : memref<4000000xi32, #tpu.memory_space<hbm>> -> memref<13888xi32, #tpu.memory_space<hbm>>
    %dma_wait3A_49 = tpu.memref_slice %arg2[%add3A_47] : memref<4000000xi32, #tpu.memory_space<hbm>> -> memref<13888xi32, #tpu.memory_space<hbm>>
    tpu.wait_dma2 semaphore(%arg10 : memref<!tpu.dma_semaphore, #tpu.memory_space<semaphore_mem>>) src(%dma_wait3A_49 : memref<13888xi32, #tpu.memory_space<hbm>>) dst(%arg6 : memref<13888xi32, #tpu.memory_space<vmem>>)
    %parallel_loop3A_50 = arith.constant 0 : i32
    %parallel_loop3A_51 = arith.constant 13888 : i32
    %parallel_loop3A_52 = arith.constant 16 : i32
    scf.for %parallel_loop3A_177 = %parallel_loop3A_50 to %parallel_loop3A_51 step %parallel_loop3A_52  : i32 {
      %parallel_loop3A_178 = arith.index_cast %parallel_loop3A_177 : i32 to index
      %parallel_loop3A_179 = tpu.vector_load %arg6[%parallel_loop3A_178] {strides = array<i32>} : memref<13888xi32, #tpu.memory_space<vmem>>, vector<16xi32>,
      %parallel_loop3A_180 = tpu.vector_load_idx %arg5[%parallel_loop3A_179] : memref<100xf32, #tpu.memory_space<vmem>>[vector<16xi32>], vector<16xf32>,
      %parallel_loop3A_181 = arith.index_cast %parallel_loop3A_177 : i32 to index
      %parallel_loop3A_182 = tpu.vector_load %arg8[%parallel_loop3A_181] {strides = array<i32>} : memref<13888xf32, #tpu.memory_space<vmem>>, vector<16xf32>,
      tpu.vector_store %arg8[%parallel_loop3A_181], %parallel_loop3A_180 {strides = array<i32>} : memref<13888xf32, #tpu.memory_space<vmem>>, vector<16xf32>,
    } {sc.loop_unroll_factor = 14 : i64, sc.parallel_access}
    %add3A_53 = arith.constant 27776 : i32
    %add3A_54 = arith.addi %mul3A_6, %add3A_53 : i32
    %dma_start3A_55 = tpu.memref_slice %arg4[%add3A_54] : memref<4000000xf32, #tpu.memory_space<hbm>> -> memref<13888xf32, #tpu.memory_space<hbm>>
    %dma_start3A_56 = tpu.memref_slice %arg4[%add3A_54] : memref<4000000xf32, #tpu.memory_space<hbm>> -> memref<13888xf32, #tpu.memory_space<hbm>>
    tpu.enqueue_dma source(%arg8 : memref<13888xf32, #tpu.memory_space<vmem>>) target(%dma_start3A_56 : memref<13888xf32, #tpu.memory_space<hbm>>) target_semaphore(%arg12 : memref<!tpu.dma_semaphore, #tpu.memory_space<semaphore_mem>>)
    %add3A_57 = arith.constant 55552 : i32
    %add3A_58 = arith.addi %mul3A_6, %add3A_57 : i32
    %dma_start3A_59 = tpu.memref_slice %arg2[%add3A_58] : memref<4000000xi32, #tpu.memory_space<hbm>> -> memref<13888xi32, #tpu.memory_space<hbm>>
    %dma_start3A_60 = tpu.memref_slice %arg2[%add3A_58] : memref<4000000xi32, #tpu.memory_space<hbm>> -> memref<13888xi32, #tpu.memory_space<hbm>>
    tpu.enqueue_dma source(%dma_start3A_60 : memref<13888xi32, #tpu.memory_space<hbm>>) target(%arg6 : memref<13888xi32, #tpu.memory_space<vmem>>) target_semaphore(%arg10 : memref<!tpu.dma_semaphore, #tpu.memory_space<semaphore_mem>>)
    %add3A_61 = arith.constant 13888 : i32
    %add3A_62 = arith.addi %mul3A_6, %add3A_61 : i32
    %dma_wait3A_63 = tpu.memref_slice %arg4[%add3A_62] : memref<4000000xf32, #tpu.memory_space<hbm>> -> memref<13888xf32, #tpu.memory_space<hbm>>
    %dma_wait3A_64 = tpu.memref_slice %arg4[%add3A_62] : memref<4000000xf32, #tpu.memory_space<hbm>> -> memref<13888xf32, #tpu.memory_space<hbm>>
    tpu.wait_dma2 semaphore(%arg13 : memref<!tpu.dma_semaphore, #tpu.memory_space<semaphore_mem>>) src(%arg9 : memref<13888xf32, #tpu.memory_space<vmem>>) dst(%dma_wait3A_64 : memref<13888xf32, #tpu.memory_space<hbm>>)
    %add3A_65 = arith.constant 41664 : i32
    %add3A_66 = arith.addi %mul3A_6, %add3A_65 : i32
    %dma_wait3A_67 = tpu.memref_slice %arg2[%add3A_66] : memref<4000000xi32, #tpu.memory_space<hbm>> -> memref<13888xi32, #tpu.memory_space<hbm>>
    %dma_wait3A_68 = tpu.memref_slice %arg2[%add3A_66] : memref<4000000xi32, #tpu.memory_space<hbm>> -> memref<13888xi32, #tpu.memory_space<hbm>>
    tpu.wait_dma2 semaphore(%arg11 : memref<!tpu.dma_semaphore, #tpu.memory_space<semaphore_mem>>) src(%dma_wait3A_68 : memref<13888xi32, #tpu.memory_space<hbm>>) dst(%arg7 : memref<13888xi32, #tpu.memory_space<vmem>>)
    %parallel_loop3A_69 = arith.constant 0 : i32
    %parallel_loop3A_70 = arith.constant 13888 : i32
    %parallel_loop3A_71 = arith.constant 16 : i32
    scf.for %parallel_loop3A_177 = %parallel_loop3A_69 to %parallel_loop3A_70 step %parallel_loop3A_71  : i32 {
      %parallel_loop3A_178 = arith.index_cast %parallel_loop3A_177 : i32 to index
      %parallel_loop3A_179 = tpu.vector_load %arg7[%parallel_loop3A_178] {strides = array<i32>} : memref<13888xi32, #tpu.memory_space<vmem>>, vector<16xi32>,
      %parallel_loop3A_180 = tpu.vector_load_idx %arg5[%parallel_loop3A_179] : memref<100xf32, #tpu.memory_space<vmem>>[vector<16xi32>], vector<16xf32>,
      %parallel_loop3A_181 = arith.index_cast %parallel_loop3A_177 : i32 to index
      %parallel_loop3A_182 = tpu.vector_load %arg9[%parallel_loop3A_181] {strides = array<i32>} : memref<13888xf32, #tpu.memory_space<vmem>>, vector<16xf32>,
      tpu.vector_store %arg9[%parallel_loop3A_181], %parallel_loop3A_180 {strides = array<i32>} : memref<13888xf32, #tpu.memory_space<vmem>>, vector<16xf32>,
    } {sc.loop_unroll_factor = 14 : i64, sc.parallel_access}
    %add3A_72 = arith.constant 41664 : i32
    %add3A_73 = arith.addi %mul3A_6, %add3A_72 : i32
    %dma_start3A_74 = tpu.memref_slice %arg4[%add3A_73] : memref<4000000xf32, #tpu.memory_space<hbm>> -> memref<13888xf32, #tpu.memory_space<hbm>>
    %dma_start3A_75 = tpu.memref_slice %arg4[%add3A_73] : memref<4000000xf32, #tpu.memory_space<hbm>> -> memref<13888xf32, #tpu.memory_space<hbm>>
    tpu.enqueue_dma source(%arg9 : memref<13888xf32, #tpu.memory_space<vmem>>) target(%dma_start3A_75 : memref<13888xf32, #tpu.memory_space<hbm>>) target_semaphore(%arg13 : memref<!tpu.dma_semaphore, #tpu.memory_space<semaphore_mem>>)
    %add3A_76 = arith.constant 69440 : i32
    %add3A_77 = arith.addi %mul3A_6, %add3A_76 : i32
    %dma_start3A_78 = tpu.memref_slice %arg2[%add3A_77] : memref<4000000xi32, #tpu.memory_space<hbm>> -> memref<13888xi32, #tpu.memory_space<hbm>>
    %dma_start3A_79 = tpu.memref_slice %arg2[%add3A_77] : memref<4000000xi32, #tpu.memory_space<hbm>> -> memref<13888xi32, #tpu.memory_space<hbm>>
    tpu.enqueue_dma source(%dma_start3A_79 : memref<13888xi32, #tpu.memory_space<hbm>>) target(%arg7 : memref<13888xi32, #tpu.memory_space<vmem>>) target_semaphore(%arg11 : memref<!tpu.dma_semaphore, #tpu.memory_space<semaphore_mem>>)
    %add3A_80 = arith.constant 27776 : i32
    %add3A_81 = arith.addi %mul3A_6, %add3A_80 : i32
    %dma_wait3A_82 = tpu.memref_slice %arg4[%add3A_81] : memref<4000000xf32, #tpu.memory_space<hbm>> -> memref<13888xf32, #tpu.memory_space<hbm>>
    %dma_wait3A_83 = tpu.memref_slice %arg4[%add3A_81] : memref<4000000xf32, #tpu.memory_space<hbm>> -> memref<13888xf32, #tpu.memory_space<hbm>>
    tpu.wait_dma2 semaphore(%arg12 : memref<!tpu.dma_semaphore, #tpu.memory_space<semaphore_mem>>) src(%arg8 : memref<13888xf32, #tpu.memory_space<vmem>>) dst(%dma_wait3A_83 : memref<13888xf32, #tpu.memory_space<hbm>>)
    %add3A_84 = arith.constant 55552 : i32
    %add3A_85 = arith.addi %mul3A_6, %add3A_84 : i32
    %dma_wait3A_86 = tpu.memref_slice %arg2[%add3A_85] : memref<4000000xi32, #tpu.memory_space<hbm>> -> memref<13888xi32, #tpu.memory_space<hbm>>
    %dma_wait3A_87 = tpu.memref_slice %arg2[%add3A_85] : memref<4000000xi32, #tpu.memory_space<hbm>> -> memref<13888xi32, #tpu.memory_space<hbm>>
    tpu.wait_dma2 semaphore(%arg10 : memref<!tpu.dma_semaphore, #tpu.memory_space<semaphore_mem>>) src(%dma_wait3A_87 : memref<13888xi32, #tpu.memory_space<hbm>>) dst(%arg6 : memref<13888xi32, #tpu.memory_space<vmem>>)
    %parallel_loop3A_88 = arith.constant 0 : i32
    %parallel_loop3A_89 = arith.constant 13888 : i32
    %parallel_loop3A_90 = arith.constant 16 : i32
    scf.for %parallel_loop3A_177 = %parallel_loop3A_88 to %parallel_loop3A_89 step %parallel_loop3A_90  : i32 {
      %parallel_loop3A_178 = arith.index_cast %parallel_loop3A_177 : i32 to index
      %parallel_loop3A_179 = tpu.vector_load %arg6[%parallel_loop3A_178] {strides = array<i32>} : memref<13888xi32, #tpu.memory_space<vmem>>, vector<16xi32>,
      %parallel_loop3A_180 = tpu.vector_load_idx %arg5[%parallel_loop3A_179] : memref<100xf32, #tpu.memory_space<vmem>>[vector<16xi32>], vector<16xf32>,
      %parallel_loop3A_181 = arith.index_cast %parallel_loop3A_177 : i32 to index
      %parallel_loop3A_182 = tpu.vector_load %arg8[%parallel_loop3A_181] {strides = array<i32>} : memref<13888xf32, #tpu.memory_space<vmem>>, vector<16xf32>,
      tpu.vector_store %arg8[%parallel_loop3A_181], %parallel_loop3A_180 {strides = array<i32>} : memref<13888xf32, #tpu.memory_space<vmem>>, vector<16xf32>,
    } {sc.loop_unroll_factor = 14 : i64, sc.parallel_access}
    %add3A_91 = arith.constant 55552 : i32
    %add3A_92 = arith.addi %mul3A_6, %add3A_91 : i32
    %dma_start3A_93 = tpu.memref_slice %arg4[%add3A_92] : memref<4000000xf32, #tpu.memory_space<hbm>> -> memref<13888xf32, #tpu.memory_space<hbm>>
    %dma_start3A_94 = tpu.memref_slice %arg4[%add3A_92] : memref<4000000xf32, #tpu.memory_space<hbm>> -> memref<13888xf32, #tpu.memory_space<hbm>>
    tpu.enqueue_dma source(%arg8 : memref<13888xf32, #tpu.memory_space<vmem>>) target(%dma_start3A_94 : memref<13888xf32, #tpu.memory_space<hbm>>) target_semaphore(%arg12 : memref<!tpu.dma_semaphore, #tpu.memory_space<semaphore_mem>>)
    %add3A_95 = arith.constant 83328 : i32
    %add3A_96 = arith.addi %mul3A_6, %add3A_95 : i32
    %dma_start3A_97 = tpu.memref_slice %arg2[%add3A_96] : memref<4000000xi32, #tpu.memory_space<hbm>> -> memref<13888xi32, #tpu.memory_space<hbm>>
    %dma_start3A_98 = tpu.memref_slice %arg2[%add3A_96] : memref<4000000xi32, #tpu.memory_space<hbm>> -> memref<13888xi32, #tpu.memory_space<hbm>>
    tpu.enqueue_dma source(%dma_start3A_98 : memref<13888xi32, #tpu.memory_space<hbm>>) target(%arg6 : memref<13888xi32, #tpu.memory_space<vmem>>) target_semaphore(%arg10 : memref<!tpu.dma_semaphore, #tpu.memory_space<semaphore_mem>>)
    %add3A_99 = arith.constant 41664 : i32
    %add3A_100 = arith.addi %mul3A_6, %add3A_99 : i32
    %dma_wait3A_101 = tpu.memref_slice %arg4[%add3A_100] : memref<4000000xf32, #tpu.memory_space<hbm>> -> memref<13888xf32, #tpu.memory_space<hbm>>
    %dma_wait3A_102 = tpu.memref_slice %arg4[%add3A_100] : memref<4000000xf32, #tpu.memory_space<hbm>> -> memref<13888xf32, #tpu.memory_space<hbm>>
    tpu.wait_dma2 semaphore(%arg13 : memref<!tpu.dma_semaphore, #tpu.memory_space<semaphore_mem>>) src(%arg9 : memref<13888xf32, #tpu.memory_space<vmem>>) dst(%dma_wait3A_102 : memref<13888xf32, #tpu.memory_space<hbm>>)
    %add3A_103 = arith.constant 69440 : i32
    %add3A_104 = arith.addi %mul3A_6, %add3A_103 : i32
    %dma_wait3A_105 = tpu.memref_slice %arg2[%add3A_104] : memref<4000000xi32, #tpu.memory_space<hbm>> -> memref<13888xi32, #tpu.memory_space<hbm>>
    %dma_wait3A_106 = tpu.memref_slice %arg2[%add3A_104] : memref<4000000xi32, #tpu.memory_space<hbm>> -> memref<13888xi32, #tpu.memory_space<hbm>>
    tpu.wait_dma2 semaphore(%arg11 : memref<!tpu.dma_semaphore, #tpu.memory_space<semaphore_mem>>) src(%dma_wait3A_106 : memref<13888xi32, #tpu.memory_space<hbm>>) dst(%arg7 : memref<13888xi32, #tpu.memory_space<vmem>>)
    %parallel_loop3A_107 = arith.constant 0 : i32
    %parallel_loop3A_108 = arith.constant 13888 : i32
    %parallel_loop3A_109 = arith.constant 16 : i32
    scf.for %parallel_loop3A_177 = %parallel_loop3A_107 to %parallel_loop3A_108 step %parallel_loop3A_109  : i32 {
      %parallel_loop3A_178 = arith.index_cast %parallel_loop3A_177 : i32 to index
      %parallel_loop3A_179 = tpu.vector_load %arg7[%parallel_loop3A_178] {strides = array<i32>} : memref<13888xi32, #tpu.memory_space<vmem>>, vector<16xi32>,
      %parallel_loop3A_180 = tpu.vector_load_idx %arg5[%parallel_loop3A_179] : memref<100xf32, #tpu.memory_space<vmem>>[vector<16xi32>], vector<16xf32>,
      %parallel_loop3A_181 = arith.index_cast %parallel_loop3A_177 : i32 to index
      %parallel_loop3A_182 = tpu.vector_load %arg9[%parallel_loop3A_181] {strides = array<i32>} : memref<13888xf32, #tpu.memory_space<vmem>>, vector<16xf32>,
      tpu.vector_store %arg9[%parallel_loop3A_181], %parallel_loop3A_180 {strides = array<i32>} : memref<13888xf32, #tpu.memory_space<vmem>>, vector<16xf32>,
    } {sc.loop_unroll_factor = 14 : i64, sc.parallel_access}
    %add3A_110 = arith.constant 69440 : i32
    %add3A_111 = arith.addi %mul3A_6, %add3A_110 : i32
    %dma_start3A_112 = tpu.memref_slice %arg4[%add3A_111] : memref<4000000xf32, #tpu.memory_space<hbm>> -> memref<13888xf32, #tpu.memory_space<hbm>>
    %dma_start3A_113 = tpu.memref_slice %arg4[%add3A_111] : memref<4000000xf32, #tpu.memory_space<hbm>> -> memref<13888xf32, #tpu.memory_space<hbm>>
    tpu.enqueue_dma source(%arg9 : memref<13888xf32, #tpu.memory_space<vmem>>) target(%dma_start3A_113 : memref<13888xf32, #tpu.memory_space<hbm>>) target_semaphore(%arg13 : memref<!tpu.dma_semaphore, #tpu.memory_space<semaphore_mem>>)
    %add3A_114 = arith.constant 97216 : i32
    %add3A_115 = arith.addi %mul3A_6, %add3A_114 : i32
    %dma_start3A_116 = tpu.memref_slice %arg2[%add3A_115] : memref<4000000xi32, #tpu.memory_space<hbm>> -> memref<13888xi32, #tpu.memory_space<hbm>>
    %dma_start3A_117 = tpu.memref_slice %arg2[%add3A_115] : memref<4000000xi32, #tpu.memory_space<hbm>> -> memref<13888xi32, #tpu.memory_space<hbm>>
    tpu.enqueue_dma source(%dma_start3A_117 : memref<13888xi32, #tpu.memory_space<hbm>>) target(%arg7 : memref<13888xi32, #tpu.memory_space<vmem>>) target_semaphore(%arg11 : memref<!tpu.dma_semaphore, #tpu.memory_space<semaphore_mem>>)
    %add3A_118 = arith.constant 55552 : i32
    %add3A_119 = arith.addi %mul3A_6, %add3A_118 : i32
    %dma_wait3A_120 = tpu.memref_slice %arg4[%add3A_119] : memref<4000000xf32, #tpu.memory_space<hbm>> -> memref<13888xf32, #tpu.memory_space<hbm>>
    %dma_wait3A_121 = tpu.memref_slice %arg4[%add3A_119] : memref<4000000xf32, #tpu.memory_space<hbm>> -> memref<13888xf32, #tpu.memory_space<hbm>>
    tpu.wait_dma2 semaphore(%arg12 : memref<!tpu.dma_semaphore, #tpu.memory_space<semaphore_mem>>) src(%arg8 : memref<13888xf32, #tpu.memory_space<vmem>>) dst(%dma_wait3A_121 : memref<13888xf32, #tpu.memory_space<hbm>>)
    %add3A_122 = arith.constant 83328 : i32
    %add3A_123 = arith.addi %mul3A_6, %add3A_122 : i32
    %dma_wait3A_124 = tpu.memref_slice %arg2[%add3A_123] : memref<4000000xi32, #tpu.memory_space<hbm>> -> memref<13888xi32, #tpu.memory_space<hbm>>
    %dma_wait3A_125 = tpu.memref_slice %arg2[%add3A_123] : memref<4000000xi32, #tpu.memory_space<hbm>> -> memref<13888xi32, #tpu.memory_space<hbm>>
    tpu.wait_dma2 semaphore(%arg10 : memref<!tpu.dma_semaphore, #tpu.memory_space<semaphore_mem>>) src(%dma_wait3A_125 : memref<13888xi32, #tpu.memory_space<hbm>>) dst(%arg6 : memref<13888xi32, #tpu.memory_space<vmem>>)
    %parallel_loop3A_126 = arith.constant 0 : i32
    %parallel_loop3A_127 = arith.constant 13888 : i32
    %parallel_loop3A_128 = arith.constant 16 : i32
    scf.for %parallel_loop3A_177 = %parallel_loop3A_126 to %parallel_loop3A_127 step %parallel_loop3A_128  : i32 {
      %parallel_loop3A_178 = arith.index_cast %parallel_loop3A_177 : i32 to index
      %parallel_loop3A_179 = tpu.vector_load %arg6[%parallel_loop3A_178] {strides = array<i32>} : memref<13888xi32, #tpu.memory_space<vmem>>, vector<16xi32>,
      %parallel_loop3A_180 = tpu.vector_load_idx %arg5[%parallel_loop3A_179] : memref<100xf32, #tpu.memory_space<vmem>>[vector<16xi32>], vector<16xf32>,
      %parallel_loop3A_181 = arith.index_cast %parallel_loop3A_177 : i32 to index
      %parallel_loop3A_182 = tpu.vector_load %arg8[%parallel_loop3A_181] {strides = array<i32>} : memref<13888xf32, #tpu.memory_space<vmem>>, vector<16xf32>,
      tpu.vector_store %arg8[%parallel_loop3A_181], %parallel_loop3A_180 {strides = array<i32>} : memref<13888xf32, #tpu.memory_space<vmem>>, vector<16xf32>,
    } {sc.loop_unroll_factor = 14 : i64, sc.parallel_access}
    %add3A_129 = arith.constant 83328 : i32
    %add3A_130 = arith.addi %mul3A_6, %add3A_129 : i32
    %dma_start3A_131 = tpu.memref_slice %arg4[%add3A_130] : memref<4000000xf32, #tpu.memory_space<hbm>> -> memref<13888xf32, #tpu.memory_space<hbm>>
    %dma_start3A_132 = tpu.memref_slice %arg4[%add3A_130] : memref<4000000xf32, #tpu.memory_space<hbm>> -> memref<13888xf32, #tpu.memory_space<hbm>>
    tpu.enqueue_dma source(%arg8 : memref<13888xf32, #tpu.memory_space<vmem>>) target(%dma_start3A_132 : memref<13888xf32, #tpu.memory_space<hbm>>) target_semaphore(%arg12 : memref<!tpu.dma_semaphore, #tpu.memory_space<semaphore_mem>>)
    %add3A_133 = arith.constant 111104 : i32
    %add3A_134 = arith.addi %mul3A_6, %add3A_133 : i32
    %dma_start3A_135 = tpu.memref_slice %arg2[%add3A_134] : memref<4000000xi32, #tpu.memory_space<hbm>> -> memref<13888xi32, #tpu.memory_space<hbm>>
    %dma_start3A_136 = tpu.memref_slice %arg2[%add3A_134] : memref<4000000xi32, #tpu.memory_space<hbm>> -> memref<13888xi32, #tpu.memory_space<hbm>>
    tpu.enqueue_dma source(%dma_start3A_136 : memref<13888xi32, #tpu.memory_space<hbm>>) target(%arg6 : memref<13888xi32, #tpu.memory_space<vmem>>) target_semaphore(%arg10 : memref<!tpu.dma_semaphore, #tpu.memory_space<semaphore_mem>>)
    %add3A_137 = arith.constant 69440 : i32
    %add3A_138 = arith.addi %mul3A_6, %add3A_137 : i32
    %dma_wait3A_139 = tpu.memref_slice %arg4[%add3A_138] : memref<4000000xf32, #tpu.memory_space<hbm>> -> memref<13888xf32, #tpu.memory_space<hbm>>
    %dma_wait3A_140 = tpu.memref_slice %arg4[%add3A_138] : memref<4000000xf32, #tpu.memory_space<hbm>> -> memref<13888xf32, #tpu.memory_space<hbm>>
    tpu.wait_dma2 semaphore(%arg13 : memref<!tpu.dma_semaphore, #tpu.memory_space<semaphore_mem>>) src(%arg9 : memref<13888xf32, #tpu.memory_space<vmem>>) dst(%dma_wait3A_140 : memref<13888xf32, #tpu.memory_space<hbm>>)
    %add3A_141 = arith.constant 97216 : i32
    %add3A_142 = arith.addi %mul3A_6, %add3A_141 : i32
    %dma_wait3A_143 = tpu.memref_slice %arg2[%add3A_142] : memref<4000000xi32, #tpu.memory_space<hbm>> -> memref<13888xi32, #tpu.memory_space<hbm>>
    %dma_wait3A_144 = tpu.memref_slice %arg2[%add3A_142] : memref<4000000xi32, #tpu.memory_space<hbm>> -> memref<13888xi32, #tpu.memory_space<hbm>>
    tpu.wait_dma2 semaphore(%arg11 : memref<!tpu.dma_semaphore, #tpu.memory_space<semaphore_mem>>) src(%dma_wait3A_144 : memref<13888xi32, #tpu.memory_space<hbm>>) dst(%arg7 : memref<13888xi32, #tpu.memory_space<vmem>>)
    %parallel_loop3A_145 = arith.constant 0 : i32
    %parallel_loop3A_146 = arith.constant 13888 : i32
    %parallel_loop3A_147 = arith.constant 16 : i32
    scf.for %parallel_loop3A_177 = %parallel_loop3A_145 to %parallel_loop3A_146 step %parallel_loop3A_147  : i32 {
      %parallel_loop3A_178 = arith.index_cast %parallel_loop3A_177 : i32 to index
      %parallel_loop3A_179 = tpu.vector_load %arg7[%parallel_loop3A_178] {strides = array<i32>} : memref<13888xi32, #tpu.memory_space<vmem>>, vector<16xi32>,
      %parallel_loop3A_180 = tpu.vector_load_idx %arg5[%parallel_loop3A_179] : memref<100xf32, #tpu.memory_space<vmem>>[vector<16xi32>], vector<16xf32>,
      %parallel_loop3A_181 = arith.index_cast %parallel_loop3A_177 : i32 to index
      %parallel_loop3A_182 = tpu.vector_load %arg9[%parallel_loop3A_181] {strides = array<i32>} : memref<13888xf32, #tpu.memory_space<vmem>>, vector<16xf32>,
      tpu.vector_store %arg9[%parallel_loop3A_181], %parallel_loop3A_180 {strides = array<i32>} : memref<13888xf32, #tpu.memory_space<vmem>>, vector<16xf32>,
    } {sc.loop_unroll_factor = 14 : i64, sc.parallel_access}
    %add3A_148 = arith.constant 97216 : i32
    %add3A_149 = arith.addi %mul3A_6, %add3A_148 : i32
    %dma_start3A_150 = tpu.memref_slice %arg4[%add3A_149] : memref<4000000xf32, #tpu.memory_space<hbm>> -> memref<13888xf32, #tpu.memory_space<hbm>>
    %dma_start3A_151 = tpu.memref_slice %arg4[%add3A_149] : memref<4000000xf32, #tpu.memory_space<hbm>> -> memref<13888xf32, #tpu.memory_space<hbm>>
    tpu.enqueue_dma source(%arg9 : memref<13888xf32, #tpu.memory_space<vmem>>) target(%dma_start3A_151 : memref<13888xf32, #tpu.memory_space<hbm>>) target_semaphore(%arg13 : memref<!tpu.dma_semaphore, #tpu.memory_space<semaphore_mem>>)
    %add3A_152 = arith.constant 83328 : i32
    %add3A_153 = arith.addi %mul3A_6, %add3A_152 : i32
    %dma_wait3A_154 = tpu.memref_slice %arg4[%add3A_153] : memref<4000000xf32, #tpu.memory_space<hbm>> -> memref<13888xf32, #tpu.memory_space<hbm>>
    %dma_wait3A_155 = tpu.memref_slice %arg4[%add3A_153] : memref<4000000xf32, #tpu.memory_space<hbm>> -> memref<13888xf32, #tpu.memory_space<hbm>>
    tpu.wait_dma2 semaphore(%arg12 : memref<!tpu.dma_semaphore, #tpu.memory_space<semaphore_mem>>) src(%arg8 : memref<13888xf32, #tpu.memory_space<vmem>>) dst(%dma_wait3A_155 : memref<13888xf32, #tpu.memory_space<hbm>>)
    %add3A_156 = arith.constant 111104 : i32
    %add3A_157 = arith.addi %mul3A_6, %add3A_156 : i32
    %dma_wait3A_158 = tpu.memref_slice %arg2[%add3A_157] : memref<4000000xi32, #tpu.memory_space<hbm>> -> memref<13888xi32, #tpu.memory_space<hbm>>
    %dma_wait3A_159 = tpu.memref_slice %arg2[%add3A_157] : memref<4000000xi32, #tpu.memory_space<hbm>> -> memref<13888xi32, #tpu.memory_space<hbm>>
    tpu.wait_dma2 semaphore(%arg10 : memref<!tpu.dma_semaphore, #tpu.memory_space<semaphore_mem>>) src(%dma_wait3A_159 : memref<13888xi32, #tpu.memory_space<hbm>>) dst(%arg6 : memref<13888xi32, #tpu.memory_space<vmem>>)
    %parallel_loop3A_160 = arith.constant 0 : i32
    %parallel_loop3A_161 = arith.constant 13888 : i32
    %parallel_loop3A_162 = arith.constant 16 : i32
    scf.for %parallel_loop3A_177 = %parallel_loop3A_160 to %parallel_loop3A_161 step %parallel_loop3A_162  : i32 {
      %parallel_loop3A_178 = arith.index_cast %parallel_loop3A_177 : i32 to index
      %parallel_loop3A_179 = tpu.vector_load %arg6[%parallel_loop3A_178] {strides = array<i32>} : memref<13888xi32, #tpu.memory_space<vmem>>, vector<16xi32>,
      %parallel_loop3A_180 = tpu.vector_load_idx %arg5[%parallel_loop3A_179] : memref<100xf32, #tpu.memory_space<vmem>>[vector<16xi32>], vector<16xf32>,
      %parallel_loop3A_181 = arith.index_cast %parallel_loop3A_177 : i32 to index
      %parallel_loop3A_182 = tpu.vector_load %arg8[%parallel_loop3A_181] {strides = array<i32>} : memref<13888xf32, #tpu.memory_space<vmem>>, vector<16xf32>,
      tpu.vector_store %arg8[%parallel_loop3A_181], %parallel_loop3A_180 {strides = array<i32>} : memref<13888xf32, #tpu.memory_space<vmem>>, vector<16xf32>,
    } {sc.loop_unroll_factor = 14 : i64, sc.parallel_access}
    %add3A_163 = arith.constant 111104 : i32
    %add3A_164 = arith.addi %mul3A_6, %add3A_163 : i32
    %dma_start3A_165 = tpu.memref_slice %arg4[%add3A_164] : memref<4000000xf32, #tpu.memory_space<hbm>> -> memref<13888xf32, #tpu.memory_space<hbm>>
    %dma_start3A_166 = tpu.memref_slice %arg4[%add3A_164] : memref<4000000xf32, #tpu.memory_space<hbm>> -> memref<13888xf32, #tpu.memory_space<hbm>>
    tpu.enqueue_dma source(%arg8 : memref<13888xf32, #tpu.memory_space<vmem>>) target(%dma_start3A_166 : memref<13888xf32, #tpu.memory_space<hbm>>) target_semaphore(%arg12 : memref<!tpu.dma_semaphore, #tpu.memory_space<semaphore_mem>>)
    %add3A_167 = arith.constant 97216 : i32
    %add3A_168 = arith.addi %mul3A_6, %add3A_167 : i32
    %dma_wait3A_169 = tpu.memref_slice %arg4[%add3A_168] : memref<4000000xf32, #tpu.memory_space<hbm>> -> memref<13888xf32, #tpu.memory_space<hbm>>
    %dma_wait3A_170 = tpu.memref_slice %arg4[%add3A_168] : memref<4000000xf32, #tpu.memory_space<hbm>> -> memref<13888xf32, #tpu.memory_space<hbm>>
    tpu.wait_dma2 semaphore(%arg13 : memref<!tpu.dma_semaphore, #tpu.memory_space<semaphore_mem>>) src(%arg9 : memref<13888xf32, #tpu.memory_space<vmem>>) dst(%dma_wait3A_170 : memref<13888xf32, #tpu.memory_space<hbm>>)
    %add3A_171 = arith.constant 111104 : i32
    %add3A_172 = arith.addi %mul3A_6, %add3A_171 : i32
    %dma_wait3A_173 = tpu.memref_slice %arg4[%add3A_172] : memref<4000000xf32, #tpu.memory_space<hbm>> -> memref<13888xf32, #tpu.memory_space<hbm>>
    %dma_wait3A_174 = tpu.memref_slice %arg4[%add3A_172] : memref<4000000xf32, #tpu.memory_space<hbm>> -> memref<13888xf32, #tpu.memory_space<hbm>>
    tpu.wait_dma2 semaphore(%arg12 : memref<!tpu.dma_semaphore, #tpu.memory_space<semaphore_mem>>) src(%arg8 : memref<13888xf32, #tpu.memory_space<vmem>>) dst(%dma_wait3A_174 : memref<13888xf32, #tpu.memory_space<hbm>>)
    %lt3A = arith.constant 16 : i32
    %lt3A_175 = arith.cmpi slt, %add3A, %lt3A : i32
    %convert_element_type3A = arith.extui %lt3A_175 : i1 to i32
    %cond3A = arith.constant 0 : i32
    %cond3A_176 = arith.cmpi ne, %convert_element_type3A, %cond3A : i32
    scf.if %cond3A_176 {
      %add3A_177 = arith.constant 124992 : i32
      %add3A_178 = arith.addi %mul3A_6, %add3A_177 : i32
      "tpu.region"() ({
        %run_scoped3A = tpu.sem_alloc : memref<!tpu.dma_semaphore, #tpu.memory_space<semaphore_mem>>
        %dma_start3A_181 = arith.constant 0 : i32
        %dma_start3A_182 = tpu.memref_slice %arg6[%dma_start3A_181] : memref<13888xi32, #tpu.memory_space<vmem>> -> memref<16xi32, #tpu.memory_space<vmem>>
        %dma_start3A_183 = tpu.memref_slice %arg2[%add3A_178] : memref<4000000xi32, #tpu.memory_space<hbm>> -> memref<16xi32, #tpu.memory_space<hbm>>
        %dma_start3A_184 = arith.constant 0 : i32
        %dma_start3A_185 = tpu.memref_slice %arg6[%dma_start3A_184] : memref<13888xi32, #tpu.memory_space<vmem>> -> memref<16xi32, #tpu.memory_space<vmem>>
        %dma_start3A_186 = tpu.memref_slice %arg2[%add3A_178] : memref<4000000xi32, #tpu.memory_space<hbm>> -> memref<16xi32, #tpu.memory_space<hbm>>
        tpu.enqueue_dma source(%dma_start3A_186 : memref<16xi32, #tpu.memory_space<hbm>>) target(%dma_start3A_185 : memref<16xi32, #tpu.memory_space<vmem>>) target_semaphore(%run_scoped3A : memref<!tpu.dma_semaphore, #tpu.memory_space<semaphore_mem>>)
        %dma_wait3A_187 = arith.constant 0 : i32
        %dma_wait3A_188 = tpu.memref_slice %arg6[%dma_wait3A_187] : memref<13888xi32, #tpu.memory_space<vmem>> -> memref<16xi32, #tpu.memory_space<vmem>>
        %dma_wait3A_189 = tpu.memref_slice %arg2[%add3A_178] : memref<4000000xi32, #tpu.memory_space<hbm>> -> memref<16xi32, #tpu.memory_space<hbm>>
        %dma_wait3A_190 = arith.constant 0 : i32
        %dma_wait3A_191 = tpu.memref_slice %arg6[%dma_wait3A_190] : memref<13888xi32, #tpu.memory_space<vmem>> -> memref<16xi32, #tpu.memory_space<vmem>>
        %dma_wait3A_192 = tpu.memref_slice %arg2[%add3A_178] : memref<4000000xi32, #tpu.memory_space<hbm>> -> memref<16xi32, #tpu.memory_space<hbm>>
        tpu.wait_dma2 semaphore(%run_scoped3A : memref<!tpu.dma_semaphore, #tpu.memory_space<semaphore_mem>>) src(%dma_wait3A_192 : memref<16xi32, #tpu.memory_space<hbm>>) dst(%dma_wait3A_191 : memref<16xi32, #tpu.memory_space<vmem>>)
        tpu.yield
      }) : () -> ()
      %get3A = arith.constant 0 : index
      %get3A_179 = tpu.vector_load %arg6[%get3A] {strides = array<i32>} : memref<13888xi32, #tpu.memory_space<vmem>>, vector<16xi32>,
      %gather3A = tpu.vector_load_idx %arg5[%get3A_179] : memref<100xf32, #tpu.memory_space<vmem>>[vector<16xi32>], vector<16xf32>,
      %swap3A = arith.constant 0 : index
      %swap3A_180 = tpu.vector_load %arg8[%swap3A] {strides = array<i32>} : memref<13888xf32, #tpu.memory_space<vmem>>, vector<16xf32>,
      tpu.vector_store %arg8[%swap3A], %gather3A {strides = array<i32>} : memref<13888xf32, #tpu.memory_space<vmem>>, vector<16xf32>,
      "tpu.region"() ({
        %run_scoped3A = tpu.sem_alloc : memref<!tpu.dma_semaphore, #tpu.memory_space<semaphore_mem>>
        %dma_start3A_181 = arith.constant 0 : i32
        %dma_start3A_182 = tpu.memref_slice %arg8[%dma_start3A_181] : memref<13888xf32, #tpu.memory_space<vmem>> -> memref<16xf32, #tpu.memory_space<vmem>>
        %dma_start3A_183 = tpu.memref_slice %arg4[%add3A_178] : memref<4000000xf32, #tpu.memory_space<hbm>> -> memref<16xf32, #tpu.memory_space<hbm>>
        %dma_start3A_184 = tpu.memref_slice %arg4[%add3A_178] : memref<4000000xf32, #tpu.memory_space<hbm>> -> memref<16xf32, #tpu.memory_space<hbm>>
        %dma_start3A_185 = arith.constant 0 : i32
        %dma_start3A_186 = tpu.memref_slice %arg8[%dma_start3A_185] : memref<13888xf32, #tpu.memory_space<vmem>> -> memref<16xf32, #tpu.memory_space<vmem>>
        tpu.enqueue_dma source(%dma_start3A_186 : memref<16xf32, #tpu.memory_space<vmem>>) target(%dma_start3A_184 : memref<16xf32, #tpu.memory_space<hbm>>) target_semaphore(%run_scoped3A : memref<!tpu.dma_semaphore, #tpu.memory_space<semaphore_mem>>)
        %dma_wait3A_187 = arith.constant 0 : i32
        %dma_wait3A_188 = tpu.memref_slice %arg8[%dma_wait3A_187] : memref<13888xf32, #tpu.memory_space<vmem>> -> memref<16xf32, #tpu.memory_space<vmem>>
        %dma_wait3A_189 = tpu.memref_slice %arg4[%add3A_178] : memref<4000000xf32, #tpu.memory_space<hbm>> -> memref<16xf32, #tpu.memory_space<hbm>>
        %dma_wait3A_190 = tpu.memref_slice %arg4[%add3A_178] : memref<4000000xf32, #tpu.memory_space<hbm>> -> memref<16xf32, #tpu.memory_space<hbm>>
        %dma_wait3A_191 = arith.constant 0 : i32
        %dma_wait3A_192 = tpu.memref_slice %arg8[%dma_wait3A_191] : memref<13888xf32, #tpu.memory_space<vmem>> -> memref<16xf32, #tpu.memory_space<vmem>>
        tpu.wait_dma2 semaphore(%run_scoped3A : memref<!tpu.dma_semaphore, #tpu.memory_space<semaphore_mem>>) src(%dma_wait3A_192 : memref<16xf32, #tpu.memory_space<vmem>>) dst(%dma_wait3A_190 : memref<16xf32, #tpu.memory_space<hbm>>)
        tpu.yield
      }) : () -> ()
    } else {
    }
    return
  }
}

</mosaic_0001>

<sc_bundles>
// kernel: kernel.3.cloned.1.call-start
scs
__scs_entry_jumppad:
0x0: {  	(pc) =	sbr.rel $0x88, $3  }
0x1: {  	(tag) =	ssettag $0x0;
	lr =	simm.s32 $0x1  }
0x2: {  	[smem:$0x3F9E] =	sst lr;
	_ =	strace $0xD0000000  }
0x3: {  	_ = 	snop  }
0x4: {  	_ = 	snop  }
0x5: {  	_ = 	snop  }
0x6: {  	_ = 	snop  }
0x7: {  	_ = 	snop  }
__scs_overlays_trampoline_lowered:
0x8: {  	[smem:$0x3FAD] =	sst s0  }
0x9: {  	[smem:$0x3FAE] =	sst s1  }
0xa: {  	[smem:$0x3FAF] =	sst s2  }
0xb: {  	[smem:$0x3FB0] =	sst s3  }
0xc: {  	[smem:$0x3FB1] =	sst s4  }
0xd: {  	[smem:$0x3FB2] =	sst s5  }
0xe: {  	[smem:$0x3FB3] =	sst s6  }
0xf: {  	[smem:$0x3FB4] =	sst s7  }
0x10: {  	[smem:$0x3FB5] =	sst s8  }
0x11: {  	[smem:$0x3FB6] =	sst s9;
	s0 =	simm.s32 @!p0 $0x0  }
0x12: {  	s1 =	sld [smem:$0x3F9C];
	s0 =	simm.s32 @p0 $0x1  }
0x13: {  	[smem:$0x3FB7] =	sst s0;
	s0 =	simm.s32 @!p1 $0x0  }
0x14: {  	s2 =	sld [smem:$0x3F9B];
	s0 =	simm.s32 @p1 $0x1  }
0x15: {  	[smem:$0x3FB8] =	sst s0;
	s0 =	simm.s32 @!p2 $0x0  }
0x16: {  	s3 =	sld [smem:$0x3FDB];
	s0 =	simm.s32 @p2 $0x1  }
0x17: {  	s4 =	simm.s32 $0x1BF5;
	[smem:$0x3FBA] =	sst s0  }
0x18: {  	s0 =	sld [smem:$0x3F9D];
	_ =	swait.ge [sflag:s4], $0x0  }
0x19: {  	s7 =	sld [smem:$0x3F9E]  }
0x1a: {  	s8 =	sadd.s32 $0xFFFFE003, lr  }
0x1b: {  	s9 =	sadd.s32 $0xFFFFFEF7, lr;
	s5 =	simm.s32 $0xFFFFFFFF;
	p2 =	slt.u32 s8, $0xFFFFF086  }
0x1c: {  	p1 =	slt.u32 s9, $0xF7A;
	s5 =	simm.s32 @!p2 $0x0  }
0x1d: {  	s5 =	simm.s32 @p1 $0x1;
	p0 =	seq.s32 s7, s2  }
0x1e: {  	s7 =	smul.u32 @!p0 $0xF7A, s2;
	p2 =	seq.s32 @!p0 s5, $0x0  }
0x1f: {  	s9 =	smul.u32 $0xF7A, s1;
	s8 =	simm.s32 @!p0 $0x1BF5;
	p2 =	por !p2, p0  }
0x20: {  	[sflag:s8] =	ssyncset.s32 @!p0 $0xFFFFF086;
	s6 =	sadd.s32 @!p0 s3, s7;
	s7 =	simm.s32 @!p0 $0x108  }
0x21: {  	s3 =	sadd.s32 s3, s9;
	s6 =	sadd.s32 @!p0 $0x88, s6;
	s7 =	simm.s32 @p2 $0x1082  }
0x22: {  	[simem:s7], [sflag:s8] =	dma.local @!p0 [hbm:s6], $0xF7A  }
0x23: {  	s9 =	sor.u32 $0xD0000000, s2;
	s6 =	simm.s32 $0x108;
	_ =	swait.ge @!p0 [sflag:s8], $0x0  }
0x24: {  	s3 =	sadd.s32 $0x88, s3;
	s6 =	simm.s32 @!p1 $0x1082;
	[sflag:s4] =	ssyncset.s32 $0xFFFFF086  }
0x25: {  	[simem:s6], [sflag:s4] =	dma.local [hbm:s3], $0xF7A  }
0x26: {  	[smem:$0x3F9E] =	sst s1;
	(tag) =	ssettag s2;
	_ =	strace s9  }
0x27: {  	s1 =	sld [smem:$0x3FAE]  }
0x28: {  	s2 =	sld [smem:$0x3FAF]  }
0x29: {  	s4 =	sld [smem:$0x3FB1]  }
0x2a: {  	p0 =	seq.s32 s5, $0x0;
	s5 =	sld [smem:$0x3FB2]  }
0x2b: {  	s6 =	sld [smem:$0x3FB3]  }
0x2c: {  	s7 =	sld [smem:$0x3FB4]  }
0x2d: {  	s3 =	simm.s32 $0x108;
	s8 =	sld [smem:$0x3FB5]  }
0x2e: {  	s3 =	simm.s32 @!p0 $0x1082;
	s9 =	sld [smem:$0x3FB6]  }
0x2f: {  	lr =	sadd.s32 s0, s3;
	s0 =	sld [smem:$0x3FAD]  }
0x30: {  	s3 =	sld [smem:$0x3FB0]  }
0x31: {  	[smem:$0x3FB9] =	sst s10  }
0x32: {  	s10 =	sld [smem:$0x3FB7];
	_ =	sdelay $0x3  }
0x33: {  	p0 =	seq.s32 s10, $0x1;
	s10 =	sld [smem:$0x3FB9];
	_ =	sdelay $0x3  }
0x34: {  	[smem:$0x3FB9] =	sst s10  }
0x35: {  	s10 =	sld [smem:$0x3FB8];
	_ =	sdelay $0x3  }
0x36: {  	p1 =	seq.s32 s10, $0x1;
	s10 =	sld [smem:$0x3FB9];
	_ =	sdelay $0x3  }
0x37: {  	[smem:$0x3FB9] =	sst s10  }
0x38: {  	s10 =	sld [smem:$0x3FBA]  }
0x39: {  	_ = 	snop;
	(pc) =	sbr.ind lr, $3  }
0x3a: {  	_ = 	snop  }
0x3b: {  	_ = 	snop  }
0x3c: {  	p2 =	seq.s32 s10, $0x1;
	s10 =	sld [smem:$0x3FB9]  }
0x3d: {  	_ =	shalt  }
0x3e: {  	_ =	shalt  }
0x3f: {  	_ =	shalt  }
0x40: {  	_ =	shalt  }
0x41: {  	_ =	shalt  }
0x42: {  	_ =	shalt  }
0x43: {  	_ =	shalt  }
0x44: {  	_ =	shalt  }
0x45: {  	_ =	shalt  }
0x46: {  	_ =	shalt  }
0x47: {  	_ =	shalt  }
0x48: {  	_ =	shalt  }
0x49: {  	_ =	shalt  }
0x4a: {  	_ =	shalt  }
0x4b: {  	_ =	shalt  }
0x4c: {  	_ =	shalt  }
0x4d: {  	_ =	shalt  }
0x4e: {  	_ =	shalt  }
0x4f: {  	_ =	shalt  }
0x50: {  	_ =	shalt  }
0x51: {  	_ =	shalt  }
0x52: {  	_ =	shalt  }
0x53: {  	_ =	shalt  }
0x54: {  	_ =	shalt  }
0x55: {  	_ =	shalt  }
0x56: {  	_ =	shalt  }
0x57: {  	_ =	shalt  }
0x58: {  	_ =	shalt  }
0x59: {  	_ =	shalt  }
0x5a: {  	_ =	shalt  }
0x5b: {  	_ =	shalt  }
0x5c: {  	_ =	shalt  }
0x5d: {  	_ =	shalt  }
0x5e: {  	_ =	shalt  }
0x5f: {  	_ =	shalt  }
0x60: {  	_ =	shalt  }
0x61: {  	_ =	shalt  }
0x62: {  	_ =	shalt  }
0x63: {  	_ =	shalt  }
0x64: {  	_ =	shalt  }
0x65: {  	_ =	shalt  }
0x66: {  	_ =	shalt  }
0x67: {  	_ =	shalt  }
0x68: {  	_ =	shalt  }
0x69: {  	_ =	shalt  }
0x6a: {  	_ =	shalt  }
0x6b: {  	_ =	shalt  }
0x6c: {  	_ =	shalt  }
0x6d: {  	_ =	shalt  }
0x6e: {  	_ =	shalt  }
0x6f: {  	_ =	shalt  }
0x70: {  	_ =	shalt  }
0x71: {  	_ =	shalt  }
0x72: {  	_ =	shalt  }
0x73: {  	_ =	shalt  }
0x74: {  	_ =	shalt  }
0x75: {  	_ =	shalt  }
0x76: {  	_ =	shalt  }
0x77: {  	_ =	shalt  }
0x78: {  	_ =	shalt  }
0x79: {  	_ =	shalt  }
0x7a: {  	_ =	shalt  }
0x7b: {  	_ =	shalt  }
0x7c: {  	_ =	shalt  }
0x7d: {  	_ =	shalt  }
0x7e: {  	_ =	shalt  }
0x7f: {  	_ =	shalt  }
0x80: {  	_ =	shalt  }
0x81: {  	_ =	shalt  }
0x82: {  	_ =	shalt  }
0x83: {  	_ =	shalt  }
0x84: {  	_ =	shalt  }
0x85: {  	_ =	shalt  }
0x86: {  	_ =	shalt  }
0x87: {  	_ =	shalt  }
.Lfunc_end0:
.L_simem_size_0:
called_computation_lowered:
.L_overlay_start_0:
0x88: {  	s2 =	sld [smem:$0x3FD9]  }
0x89: {  	s3 =	sld [smem:$0x3FFE];
	_ =	sdelay $0x1  }
0x8a: {  	s1 =	srdreg.scid  }
0x8b: {  	s0 =	sand.u32 $0x1, s1  }
0x8c: {  	s17 =	sshll.u32 s0, $0xA;
	s2 =	sadd.s32 s3, s2  }
0x8d: {  	s2 =	sadd.s32 s2, s17  }
0x8e: {  	[smem:$0x3FC5] =	sst s2  }
0x8f: {  	_ = 	snop  }
0x90: {  	s2 =	sld [smem:$0x3FC8]  }
0x91: {  	s18 =	sld [smem:$0x3FC7];
	(tm) =	ssettm $0x1  }
0x92: {  	s4 =	sld [smem:$0x3FFB];
	_ =	sdelay $0x3  }
0x93: {  	_ =	strace s4  }
0x94: {  	s4 =	sld [smem:$0x3FFC];
	_ =	sdelay $0x3  }
0x95: {  	_ =	strace s4  }
0x96: {  	s4 =	sld [smem:$0x3FFD];
	_ =	sdelay $0x3  }
0x97: {  	_ =	strace s4  }
0x98: {  	_ =	strace $0x8FFFFFFF  }
0x99: {  	s19 =	sld [smem:$0x3FDB];
	_ =	sdelay $0x1  }
0x9a: {  	s5 =	simm.s32 $_scs_section_size  }
0x9b: {  	s6 =	simm.s32 $_size__tile_overlayer_lowered;
	s7 =	simm.s32 $_tile_overlayer_lowered  }
0x9c: {  	s22 =	simm.s32 $0x1BFF;
	s21 =	sshll.u32 s7, $0x1;
	s4 =	sadd.s32 s5, s19  }
0x9d: {  	s8 =	simm.s32 $0x0;
	s20 =	sshll.u32 s6, $0x1;
	s6 =	sadd.s32 s21, s4  }
0x9e: {  	[timem:s8], [sflag:s22] =	dma.local [hbm:s6], s20  }
0x9f: {  	_ =	swait.ge [sflag:s22], s20  }
0xa0: {  	s5 =	ssub.s32 $0x0, s20;
	[sflag:s22] =	ssyncset.done $0x0  }
0xa1: {  	[sflag:s22] =	ssyncadd.s32 s5;
	_ =	sdelay $0x1  }
0xa2: {  	s23 =	simm.s32 $0x1B8B  }
0xa3: {  	_ =	swait.ge [sflag:s23], $0x1  }
0xa4: {  	[sflag:s23] =	ssyncset.done $0x0  }
0xa5: {  	s25 =	simm.s32 $0x1B8E;
	s24 =	sld [smem:$0x3FFE];
	[sflag:s23] =	ssyncadd.s32 $0xFFFFFFFF  }
0xa6: {  	s26 =	simm.s32 $execute0_lowered;
	[smem:$0x3FD2] =	sst s25  }
0xa7: {  	s6 =	sshll.u32 s26, $0x1;
	_ =	strace $0x80000046;
	[dreg:$0x1] =	wrdreg $0xFFFFFFFF  }
0xa8: {  	s28 =	simm.s32 $_size_execute0_lowered;
	s4 =	sadd.s32 s4, s6;
	[dreg:$0x0] =	wrdreg $0x0  }
0xa9: {  	s6 =	sshll.u32 s28, $0x1;
	[dreg:$0x2] =	wrdreg s4  }
0xaa: {  	[dreg:$0x3] =	wrdreg s6  }
0xab: {  	[dreg:$0x4] =	wrdreg $0xC0  }
0xac: {  	_ =	task [dreg:s8], $0x5FFFF  }
0xad: {  	[dreg:$0x1] =	wrdreg $0xFFFFFFFF  }
0xae: {  	[dreg:$0x0] =	wrdreg $0x60  }
0xaf: {  	[dreg:$0x2] =	wrdreg s2  }
0xb0: {  	[dreg:$0x3] =	wrdreg s18  }
0xb1: {  	[dreg:$0x4] =	wrdreg s24  }
0xb2: {  	[dreg:$0x5] =	wrdreg $0x9  }
0xb3: {  	_ =	task.clear_ibuf [dreg:s8], $0x6FFFF;
	_ =	strace $0x90000046  }
0xb4: {  	s29 =	simm.s32 $0x9;
	_ =	strace $0x80000048  }
0xb5: {  	_ =	swait.ge [sflag:s29], $0x1  }
0xb6: {  	[sflag:s29] =	ssyncadd.s32 $0xFFFFFFFF  }
0xb7: {  	_ =	strace $0x90000048  }
0xb8: {  	_ =	sfence  }
0xb9: {  	s30 =	sld [smem:$0x0];
	_ =	sdelay $0x2  }
0xba: {  	s31 =	sshll.u32 s1, $0xD;
	s1 =	sshrl.u32 s1, $0x2  }
0xbb: {  	s3 =	sand.u32 $0x4000, s31;
	s1 =	sadd.s32 s1, s30  }
0xbc: {  	s0 =	sor.u32 s3, s0;
	s1 =	sshll.u32 s1, $0x11  }
0xbd: {  	s0 =	sor.u32 s1, s0  }
0xbe: {  	s0 =	sadd.s32 $0x8F2B, s0  }
0xbf: {  	[sflag:s0] =	ssyncadd.remote.s32 $0x1  }
0xc0: {  	_ =	sfence.sel $0xFFFF  }
0xc1: {  	[dreg:$0x0] =	wrdreg $0xFFFFFFFF;
	(pc) =	sbr.abs _section_cstart, $3  }
0xc2: {  	[dreg:$0x1] =	wrdreg $0xFFFFFFFF  }
0xc3: {  	_ =	task.clear_ibuf [dreg:s8], $0x2FFFF;
	_ =	strace $0x9FFFFFFF  }
0xc4: {  	(tm) =	ssettm $0x7FFFFFFF  }
0xc5: {  	_ =	shalt  }
tec
execute0_lowered:
.L_overlay_start_1:
0x0: {  	(tag) =	ssettag $0x1  }
0x1: {  	s0 =	rddreg [dreg:$0x0]  }
0x2: {  	s1 =	srdreg.scid;
	s7 =	stileid.u32  }
0x3: {  	s4 =	rddreg [dreg:$0x2];
	s1 =	sand.u32 $0x1, s1;
	s2 =	sshll.u32 s7, $0x1  }
0x4: {  	s3 =	simm.s32 $0x0;
	s28 =	simm.s32 $0x36A8;
	s2 =	sor.u32 s1, s2  }
0x5: {  	s29 =	simm.s32 $0x1;
	s30 =	simm.s32 $0x6CE8;
	s5 =	smul.u32 $0x1E84, s2  }
0x6: {  	s31 =	simm.s32 $0x2;
	[smem:$0x7FF] =	sst s3;
	s2 =	smin.u32 s2, $0x10  }
0x7: {  	s4 =	sadd.s32 $0x600, s4;
	s1 =	ssub.s32 $0x2, s1;
	s2 =	sadd.s32 s2, s5  }
0x8: {  	p0 =	sgt.u32 s7, $0x7;
	s16 =	sshrl.u32 s1, $0x1;
	s2 =	sshll.u32 s2, $0x1  }
0x9: {  	_ =	strace $0x80000047;
	s1 =	ssub.s32 s1, s16;
	s17 =	sadd.s32 s0, s2  }
0xa: {  	s18 =	sadd.s32 $0x6C8, s2;
	s19 =	sadd.s32 s4, s2;
	s20 =	sadd.s32 $0xD90, s2  }
0xb: {  	s21 =	sadd.s32 $0x1458, s2;
	s22 =	sadd.s32 $0x1B20, s2;
	s23 =	sadd.s32 $0x21E8, s2  }
0xc: {  	s24 =	sadd.s32 $0x28B0, s2;
	s25 =	sadd.s32 $0x2F78, s2;
	s26 =	sadd.s32 $0x3640, s2  }
0xd: {  	s2 =	sadd.s32 $0x3D08, s2;
	[dreg:$0x4] =	wrdreg s17;
	s6 =	sadd.s32 s0, s18  }
0xe: {  	[dreg:$0x6] =	wrdreg s19;
	s8 =	sadd.s32 s0, s20;
	s9 =	sadd.s32 s0, s21  }
0xf: {  	s10 =	sadd.s32 s4, s20;
	s11 =	sadd.s32 s0, s22;
	s12 =	sadd.s32 s4, s21  }
0x10: {  	s13 =	sadd.s32 s0, s23;
	s14 =	sadd.s32 s4, s22;
	s15 =	sadd.s32 s0, s24  }
0x11: {  	s16 =	sadd.s32 s4, s23;
	s17 =	sadd.s32 s0, s25;
	s19 =	sadd.s32 s0, s26  }
0x12: {  	s20 =	sadd.s32 s4, s25;
	s21 =	sadd.s32 s4, s26;
	s22 =	sadd.s32 s0, s2  }
0x13: {  	s23 =	sadd.s32 s4, s2;
	s25 =	simm.s32 $0x5;
	s26 =	simm.s32 $0x68  }
0x14: {  	s0 =	simm.s32 $0x3;
	s2 =	simm.s32 $0x4;
	[dreg:$0x5] =	wrdreg s6  }
0x15: {  	[dreg:$0x7] =	wrdreg s8;
	s8 =	sadd.s32 s4, s18;
	s18 =	sadd.s32 s4, s24  }
0x16: {  	s24 =	smax.u32 s1, $0x1;
	s1 =	simm.s32 $0xA328;
	s4 =	simm.s32 $0x0  }
.LBB2_1:
0x17: {  	s5 =	rddreg [dreg:$0x1]  }
0x18: {  	[tilespmem:s3], [sflag:$0x5] =	stream.linear.gather [hbm4b:s5+s3], $0x68, $0x38;
	[tilespmem:$0xD968] =	vst v63  }
0x19: {  	_ =	swait.ge [sflag:s25], $0x68  }
0x1a: {  	[sflag:s25] =	ssyncset.done $0x0  }
0x1b: {  	s7 =	rddreg [dreg:$0x4];
	[sflag:s25] =	ssyncadd.s32 $0xFFFFFF98  }
0x1c: {  	[tilespmem:s26], [sflag:$0x1] =	stream.linear.gather [hbm4b:s7+s3], $0x3640, $0x38;
	[tilespmem:$0xD968] =	vst v63  }
0x1d: {  	s6 =	rddreg [dreg:$0x5]  }
0x1e: {  	[tilespmem:s28], [sflag:$0x2] =	stream.linear.gather [hbm4b:s6+s3], $0x3640, $0x38;
	[tilespmem:$0xD968] =	vst v63  }
0x1f: {  	_ =	swait.ge [sflag:s29], $0x3640  }
0x20: {  	[sflag:s29] =	ssyncset.done $0x0  }
0x21: {  	s7 =	simm.s32 $0xD8;
	[sflag:s29] =	ssyncadd.s32 $0xFFFFC9C0  }
0x22: {  	v0 =	vld [tilespmem:s7+$0x60]  }
0x23: {  	v1 =	vld [tilespmem:s7+$0xFFFFFFA0]  }
0x24: {  	v2 =	vld [tilespmem:s7+$0xFFFFFFB0]  }
0x25: {  	v3 =	vld [tilespmem:s7+$0xFFFFFFC0]  }
0x26: {  	v4 =	vld [tilespmem:s7+$0xFFFFFFD0]  }
0x27: {  	v5 =	vld [tilespmem:s7+$0xFFFFFFE0]  }
0x28: {  	v6 =	vld [tilespmem:s7+$0xFFFFFFF0]  }
0x29: {  	v7 =	vld [tilespmem:s7+$0x0]  }
0x2a: {  	v8 =	vld [tilespmem:s7+$0x10]  }
0x2b: {  	v9 =	vld [tilespmem:s7+$0x20]  }
0x2c: {  	v10 =	vld [tilespmem:s7+$0x30]  }
0x2d: {  	v11 =	vld [tilespmem:s7+$0x40]  }
0x2e: {  	v12 =	vld [tilespmem:s7+$0x50]  }
0x2f: {  	v13 =	vld [tilespmem:s7+$0xFFFFFF90]  }
0x30: {  	v0 =	vld.idx.msk [tilespmem:v0+s3+$0x0], $0xffff  }
0x31: {  	v1 =	vld.idx.msk [tilespmem:v1+s3+$0x0], $0xffff  }
0x32: {  	v2 =	vld.idx.msk [tilespmem:v2+s3+$0x0], $0xffff  }
0x33: {  	v3 =	vld.idx.msk [tilespmem:v3+s3+$0x0], $0xffff  }
0x34: {  	v4 =	vld.idx.msk [tilespmem:v4+s3+$0x0], $0xffff  }
0x35: {  	s5 =	simm.s32 $0x6D58;
	v5 =	vld.idx.msk [tilespmem:v5+s3+$0x0], $0xffff  }
0x36: {  	v6 =	vld.idx.msk [tilespmem:v6+s3+$0x0], $0xffff;
	[tilespmem:s5+$0x60] =	vst v0  }
0x37: {  	v7 =	vld.idx.msk [tilespmem:v7+s3+$0x0], $0xffff;
	[tilespmem:s5+$0xFFFFFFA0] =	vst v1  }
0x38: {  	v0 =	vld.idx.msk [tilespmem:v13+s3+$0x0], $0xffff;
	[tilespmem:s5+$0xFFFFFFB0] =	vst v2  }
0x39: {  	[tilespmem:s5+$0xFFFFFFC0] =	vst v3;
	v1 =	vld.idx.msk [tilespmem:v8+s3+$0x0], $0xffff  }
0x3a: {  	[tilespmem:s5+$0xFFFFFFD0] =	vst v4;
	v2 =	vld.idx.msk [tilespmem:v9+s3+$0x0], $0xffff  }
0x3b: {  	[tilespmem:s5+$0xFFFFFFE0] =	vst v5;
	v3 =	vld.idx.msk [tilespmem:v10+s3+$0x0], $0xffff  }
0x3c: {  	[tilespmem:s5+$0xFFFFFFF0] =	vst v6;
	v4 =	vld.idx.msk [tilespmem:v11+s3+$0x0], $0xffff  }
0x3d: {  	s6 =	simm.s32 $0x0;
	s7 =	simm.s32 $0x1B8;
	[tilespmem:s5+$0x0] =	vst v7;
	v5 =	vld.idx.msk [tilespmem:v12+s3+$0x0], $0xffff  }
.LBB2_2:
0x3e: {  	v6 =	vld [tilespmem:s7+$0x60];
	s6 =	sadd.s32 $0xE0, s6;
	[tilespmem:s5+$0xFFFFFF90] =	vst v0  }
0x3f: {  	v0 =	vld [tilespmem:s7+$0xFFFFFFA0];
	p1 =	slt.u32 s6, $0x3560;
	[tilespmem:s5+$0x10] =	vst v1  }
0x40: {  	v1 =	vld [tilespmem:s7+$0xFFFFFFB0];
	[tilespmem:s5+$0x20] =	vst v2  }
0x41: {  	v2 =	vld [tilespmem:s7+$0xFFFFFFC0];
	[tilespmem:s5+$0x30] =	vst v3  }
0x42: {  	v3 =	vld [tilespmem:s7+$0xFFFFFFD0];
	[tilespmem:s5+$0x40] =	vst v4  }
0x43: {  	v4 =	vld [tilespmem:s7+$0xFFFFFFE0];
	[tilespmem:s5+$0x50] =	vst v5  }
0x44: {  	v5 =	vld [tilespmem:s7+$0xFFFFFFF0]  }
0x45: {  	v7 =	vld [tilespmem:s7+$0x0]  }
0x46: {  	v6 =	vld.idx.msk [tilespmem:v6+s3+$0x0], $0xffff  }
0x47: {  	v8 =	vld [tilespmem:s7+$0x10]  }
0x48: {  	v9 =	vld [tilespmem:s7+$0x20]  }
0x49: {  	v10 =	vld [tilespmem:s7+$0x30]  }
0x4a: {  	v11 =	vld [tilespmem:s7+$0x40]  }
0x4b: {  	s5 =	sadd.s32 $0xE0, s5;
	v12 =	vld [tilespmem:s7+$0x50]  }
0x4c: {  	v13 =	vld [tilespmem:s7+$0xFFFFFF90];
	[tilespmem:s5+$0x60] =	vst v6  }
0x4d: {  	v0 =	vld.idx.msk [tilespmem:v0+s3+$0x0], $0xffff  }
0x4e: {  	v1 =	vld.idx.msk [tilespmem:v1+s3+$0x0], $0xffff  }
0x4f: {  	v2 =	vld.idx.msk [tilespmem:v2+s3+$0x0], $0xffff  }
0x50: {  	v3 =	vld.idx.msk [tilespmem:v3+s3+$0x0], $0xffff  }
0x51: {  	v4 =	vld.idx.msk [tilespmem:v4+s3+$0x0], $0xffff  }
0x52: {  	v5 =	vld.idx.msk [tilespmem:v5+s3+$0x0], $0xffff  }
0x53: {  	[tilespmem:s5+$0xFFFFFFA0] =	vst v0;
	v6 =	vld.idx.msk [tilespmem:v7+s3+$0x0], $0xffff  }
0x54: {  	v0 =	vld.idx.msk [tilespmem:v13+s3+$0x0], $0xffff;
	[tilespmem:s5+$0xFFFFFFB0] =	vst v1  }
.Ltmp0:
0x55: {  	[tilespmem:s5+$0xFFFFFFC0] =	vst v2;
	v1 =	vld.idx.msk [tilespmem:v8+s3+$0x0], $0xffff;
	(pc) =	sbr.rel @p1 .LBB2_2-.Ltmp0, $4  }
0x56: {  	[tilespmem:s5+$0xFFFFFFD0] =	vst v3;
	v2 =	vld.idx.msk [tilespmem:v9+s3+$0x0], $0xffff  }
0x57: {  	[tilespmem:s5+$0xFFFFFFE0] =	vst v4;
	v3 =	vld.idx.msk [tilespmem:v10+s3+$0x0], $0xffff  }
0x58: {  	[tilespmem:s5+$0xFFFFFFF0] =	vst v5;
	v4 =	vld.idx.msk [tilespmem:v11+s3+$0x0], $0xffff  }
0x59: {  	s7 =	sadd.s32 $0xE0, s7;
	[tilespmem:s5+$0x0] =	vst v6;
	v5 =	vld.idx.msk [tilespmem:v12+s3+$0x0], $0xffff  }
0x5a: {  	[tilespmem:s5+$0xFFFFFF90] =	vst v0  }
0x5b: {  	[tilespmem:s5+$0x10] =	vst v1  }
0x5c: {  	[tilespmem:s5+$0x20] =	vst v2  }
0x5d: {  	[tilespmem:s5+$0x30] =	vst v3  }
0x5e: {  	[tilespmem:s5+$0x40] =	vst v4  }
0x5f: {  	[tilespmem:s5+$0x50] =	vst v5  }
0x60: {  	s5 =	rddreg [dreg:$0x6]  }
0x61: {  	[hbm4b:s5+s3] =	stream.linear.scatter [tilespmem:s30], [sflag:$0x3], $0x3640, $0x38;
	[tilespmem:$0xD968] =	vst v63  }
0x62: {  	s6 =	rddreg [dreg:$0x7]  }
0x63: {  	[tilespmem:s26], [sflag:$0x1] =	stream.linear.gather [hbm4b:s6+s3], $0x3640, $0x38;
	[tilespmem:$0xD968] =	vst v63  }
0x64: {  	_ =	swait.ge [sflag:s31], $0x3640  }
0x65: {  	[sflag:s31] =	ssyncset.done $0x0  }
0x66: {  	s7 =	simm.s32 $0x3718;
	[sflag:s31] =	ssyncadd.s32 $0xFFFFC9C0  }
0x67: {  	v0 =	vld [tilespmem:s7+$0x60]  }
0x68: {  	v1 =	vld [tilespmem:s7+$0xFFFFFFA0]  }
0x69: {  	v2 =	vld [tilespmem:s7+$0xFFFFFFB0]  }
0x6a: {  	v3 =	vld [tilespmem:s7+$0xFFFFFFC0]  }
0x6b: {  	v4 =	vld [tilespmem:s7+$0xFFFFFFD0]  }
0x6c: {  	v5 =	vld [tilespmem:s7+$0xFFFFFFE0]  }
0x6d: {  	v6 =	vld [tilespmem:s7+$0xFFFFFFF0]  }
0x6e: {  	v7 =	vld [tilespmem:s7+$0x0]  }
0x6f: {  	v8 =	vld [tilespmem:s7+$0x10]  }
0x70: {  	v9 =	vld [tilespmem:s7+$0x20]  }
0x71: {  	v10 =	vld [tilespmem:s7+$0x30]  }
0x72: {  	v11 =	vld [tilespmem:s7+$0x40]  }
0x73: {  	v12 =	vld [tilespmem:s7+$0x50]  }
0x74: {  	v13 =	vld [tilespmem:s7+$0xFFFFFF90]  }
0x75: {  	v0 =	vld.idx.msk [tilespmem:v0+s3+$0x0], $0xffff  }
0x76: {  	v1 =	vld.idx.msk [tilespmem:v1+s3+$0x0], $0xffff  }
0x77: {  	v2 =	vld.idx.msk [tilespmem:v2+s3+$0x0], $0xffff  }
0x78: {  	v3 =	vld.idx.msk [tilespmem:v3+s3+$0x0], $0xffff  }
0x79: {  	v4 =	vld.idx.msk [tilespmem:v4+s3+$0x0], $0xffff  }
0x7a: {  	s5 =	simm.s32 $0xA398;
	v5 =	vld.idx.msk [tilespmem:v5+s3+$0x0], $0xffff  }
0x7b: {  	v6 =	vld.idx.msk [tilespmem:v6+s3+$0x0], $0xffff;
	[tilespmem:s5+$0x60] =	vst v0  }
0x7c: {  	v7 =	vld.idx.msk [tilespmem:v7+s3+$0x0], $0xffff;
	[tilespmem:s5+$0xFFFFFFA0] =	vst v1  }
0x7d: {  	v0 =	vld.idx.msk [tilespmem:v13+s3+$0x0], $0xffff;
	[tilespmem:s5+$0xFFFFFFB0] =	vst v2  }
0x7e: {  	[tilespmem:s5+$0xFFFFFFC0] =	vst v3;
	v1 =	vld.idx.msk [tilespmem:v8+s3+$0x0], $0xffff  }
0x7f: {  	[tilespmem:s5+$0xFFFFFFD0] =	vst v4;
	v2 =	vld.idx.msk [tilespmem:v9+s3+$0x0], $0xffff  }
0x80: {  	[tilespmem:s5+$0xFFFFFFE0] =	vst v5;
	v3 =	vld.idx.msk [tilespmem:v10+s3+$0x0], $0xffff  }
0x81: {  	[tilespmem:s5+$0xFFFFFFF0] =	vst v6;
	v4 =	vld.idx.msk [tilespmem:v11+s3+$0x0], $0xffff  }
0x82: {  	s6 =	simm.s32 $0x0;
	s7 =	simm.s32 $0x37F8;
	[tilespmem:s5+$0x0] =	vst v7;
	v5 =	vld.idx.msk [tilespmem:v12+s3+$0x0], $0xffff  }
.LBB2_4:
0x83: {  	v6 =	vld [tilespmem:s7+$0x60];
	s6 =	sadd.s32 $0xE0, s6;
	[tilespmem:s5+$0xFFFFFF90] =	vst v0  }
0x84: {  	v0 =	vld [tilespmem:s7+$0xFFFFFFA0];
	p1 =	slt.u32 s6, $0x3560;
	[tilespmem:s5+$0x10] =	vst v1  }
0x85: {  	v1 =	vld [tilespmem:s7+$0xFFFFFFB0];
	[tilespmem:s5+$0x20] =	vst v2  }
0x86: {  	v2 =	vld [tilespmem:s7+$0xFFFFFFC0];
	[tilespmem:s5+$0x30] =	vst v3  }
0x87: {  	v3 =	vld [tilespmem:s7+$0xFFFFFFD0];
	[tilespmem:s5+$0x40] =	vst v4  }
0x88: {  	v4 =	vld [tilespmem:s7+$0xFFFFFFE0];
	[tilespmem:s5+$0x50] =	vst v5  }
0x89: {  	v5 =	vld [tilespmem:s7+$0xFFFFFFF0]  }
0x8a: {  	v7 =	vld [tilespmem:s7+$0x0]  }
0x8b: {  	v6 =	vld.idx.msk [tilespmem:v6+s3+$0x0], $0xffff  }
0x8c: {  	v8 =	vld [tilespmem:s7+$0x10]  }
0x8d: {  	v9 =	vld [tilespmem:s7+$0x20]  }
0x8e: {  	v10 =	vld [tilespmem:s7+$0x30]  }
0x8f: {  	v11 =	vld [tilespmem:s7+$0x40]  }
0x90: {  	s5 =	sadd.s32 $0xE0, s5;
	v12 =	vld [tilespmem:s7+$0x50]  }
0x91: {  	v13 =	vld [tilespmem:s7+$0xFFFFFF90];
	[tilespmem:s5+$0x60] =	vst v6  }
0x92: {  	v0 =	vld.idx.msk [tilespmem:v0+s3+$0x0], $0xffff  }
0x93: {  	v1 =	vld.idx.msk [tilespmem:v1+s3+$0x0], $0xffff  }
0x94: {  	v2 =	vld.idx.msk [tilespmem:v2+s3+$0x0], $0xffff  }
0x95: {  	v3 =	vld.idx.msk [tilespmem:v3+s3+$0x0], $0xffff  }
0x96: {  	v4 =	vld.idx.msk [tilespmem:v4+s3+$0x0], $0xffff  }
0x97: {  	v5 =	vld.idx.msk [tilespmem:v5+s3+$0x0], $0xffff  }
0x98: {  	[tilespmem:s5+$0xFFFFFFA0] =	vst v0;
	v6 =	vld.idx.msk [tilespmem:v7+s3+$0x0], $0xffff  }
0x99: {  	v0 =	vld.idx.msk [tilespmem:v13+s3+$0x0], $0xffff;
	[tilespmem:s5+$0xFFFFFFB0] =	vst v1  }
.Ltmp1:
0x9a: {  	[tilespmem:s5+$0xFFFFFFC0] =	vst v2;
	v1 =	vld.idx.msk [tilespmem:v8+s3+$0x0], $0xffff;
	(pc) =	sbr.rel @p1 .LBB2_4-.Ltmp1, $4  }
0x9b: {  	[tilespmem:s5+$0xFFFFFFD0] =	vst v3;
	v2 =	vld.idx.msk [tilespmem:v9+s3+$0x0], $0xffff  }
0x9c: {  	[tilespmem:s5+$0xFFFFFFE0] =	vst v4;
	v3 =	vld.idx.msk [tilespmem:v10+s3+$0x0], $0xffff  }
0x9d: {  	[tilespmem:s5+$0xFFFFFFF0] =	vst v5;
	v4 =	vld.idx.msk [tilespmem:v11+s3+$0x0], $0xffff  }
0x9e: {  	s7 =	sadd.s32 $0xE0, s7;
	[tilespmem:s5+$0x0] =	vst v6;
	v5 =	vld.idx.msk [tilespmem:v12+s3+$0x0], $0xffff  }
0x9f: {  	[tilespmem:s5+$0xFFFFFF90] =	vst v0  }
0xa0: {  	[tilespmem:s5+$0x10] =	vst v1  }
0xa1: {  	[tilespmem:s5+$0x20] =	vst v2  }
0xa2: {  	[tilespmem:s5+$0x30] =	vst v3  }
0xa3: {  	[tilespmem:s5+$0x40] =	vst v4  }
0xa4: {  	[tilespmem:s5+$0x50] =	vst v5  }
0xa5: {  	[hbm4b:s8+s3] =	stream.linear.scatter [tilespmem:s1], [sflag:$0x4], $0x3640, $0x38;
	[tilespmem:$0xD968] =	vst v63  }
0xa6: {  	_ = 	snop  }
0xa7: {  	[tilespmem:s28], [sflag:$0x2] =	stream.linear.gather [hbm4b:s9+s3], $0x3640, $0x38;
	[tilespmem:$0xD968] =	vst v63  }
0xa8: {  	_ =	swait.ge [sflag:s0], $0x3640  }
0xa9: {  	[sflag:s0] =	ssyncset.done $0x0  }
0xaa: {  	[sflag:s0] =	ssyncadd.s32 $0xFFFFC9C0  }
0xab: {  	_ =	swait.ge [sflag:s29], $0x3640  }
0xac: {  	[sflag:s29] =	ssyncset.done $0x0  }
0xad: {  	s7 =	simm.s32 $0xD8;
	[sflag:s29] =	ssyncadd.s32 $0xFFFFC9C0  }
0xae: {  	v0 =	vld [tilespmem:s7+$0x60]  }
0xaf: {  	v1 =	vld [tilespmem:s7+$0xFFFFFFA0]  }
0xb0: {  	v2 =	vld [tilespmem:s7+$0xFFFFFFB0]  }
0xb1: {  	v3 =	vld [tilespmem:s7+$0xFFFFFFC0]  }
0xb2: {  	v4 =	vld [tilespmem:s7+$0xFFFFFFD0]  }
0xb3: {  	v5 =	vld [tilespmem:s7+$0xFFFFFFE0]  }
0xb4: {  	v6 =	vld [tilespmem:s7+$0xFFFFFFF0]  }
0xb5: {  	v7 =	vld [tilespmem:s7+$0x0]  }
0xb6: {  	v8 =	vld [tilespmem:s7+$0x10]  }
0xb7: {  	v9 =	vld [tilespmem:s7+$0x20]  }
0xb8: {  	v10 =	vld [tilespmem:s7+$0x30]  }
0xb9: {  	v11 =	vld [tilespmem:s7+$0x40]  }
0xba: {  	v12 =	vld [tilespmem:s7+$0x50]  }
0xbb: {  	v13 =	vld [tilespmem:s7+$0xFFFFFF90]  }
0xbc: {  	v0 =	vld.idx.msk [tilespmem:v0+s3+$0x0], $0xffff  }
0xbd: {  	v1 =	vld.idx.msk [tilespmem:v1+s3+$0x0], $0xffff  }
0xbe: {  	v2 =	vld.idx.msk [tilespmem:v2+s3+$0x0], $0xffff  }
0xbf: {  	v3 =	vld.idx.msk [tilespmem:v3+s3+$0x0], $0xffff  }
0xc0: {  	v4 =	vld.idx.msk [tilespmem:v4+s3+$0x0], $0xffff  }
0xc1: {  	s5 =	simm.s32 $0x6D58;
	v5 =	vld.idx.msk [tilespmem:v5+s3+$0x0], $0xffff  }
0xc2: {  	v6 =	vld.idx.msk [tilespmem:v6+s3+$0x0], $0xffff;
	[tilespmem:s5+$0x60] =	vst v0  }
0xc3: {  	v7 =	vld.idx.msk [tilespmem:v7+s3+$0x0], $0xffff;
	[tilespmem:s5+$0xFFFFFFA0] =	vst v1  }
0xc4: {  	v0 =	vld.idx.msk [tilespmem:v13+s3+$0x0], $0xffff;
	[tilespmem:s5+$0xFFFFFFB0] =	vst v2  }
0xc5: {  	[tilespmem:s5+$0xFFFFFFC0] =	vst v3;
	v1 =	vld.idx.msk [tilespmem:v8+s3+$0x0], $0xffff  }
0xc6: {  	[tilespmem:s5+$0xFFFFFFD0] =	vst v4;
	v2 =	vld.idx.msk [tilespmem:v9+s3+$0x0], $0xffff  }
0xc7: {  	[tilespmem:s5+$0xFFFFFFE0] =	vst v5;
	v3 =	vld.idx.msk [tilespmem:v10+s3+$0x0], $0xffff  }
0xc8: {  	[tilespmem:s5+$0xFFFFFFF0] =	vst v6;
	v4 =	vld.idx.msk [tilespmem:v11+s3+$0x0], $0xffff  }
0xc9: {  	s6 =	simm.s32 $0x0;
	s7 =	simm.s32 $0x1B8;
	[tilespmem:s5+$0x0] =	vst v7;
	v5 =	vld.idx.msk [tilespmem:v12+s3+$0x0], $0xffff  }
.LBB2_6:
0xca: {  	v6 =	vld [tilespmem:s7+$0x60];
	s6 =	sadd.s32 $0xE0, s6;
	[tilespmem:s5+$0xFFFFFF90] =	vst v0  }
0xcb: {  	v0 =	vld [tilespmem:s7+$0xFFFFFFA0];
	p1 =	slt.u32 s6, $0x3560;
	[tilespmem:s5+$0x10] =	vst v1  }
0xcc: {  	v1 =	vld [tilespmem:s7+$0xFFFFFFB0];
	[tilespmem:s5+$0x20] =	vst v2  }
0xcd: {  	v2 =	vld [tilespmem:s7+$0xFFFFFFC0];
	[tilespmem:s5+$0x30] =	vst v3  }
0xce: {  	v3 =	vld [tilespmem:s7+$0xFFFFFFD0];
	[tilespmem:s5+$0x40] =	vst v4  }
0xcf: {  	v4 =	vld [tilespmem:s7+$0xFFFFFFE0];
	[tilespmem:s5+$0x50] =	vst v5  }
0xd0: {  	v5 =	vld [tilespmem:s7+$0xFFFFFFF0]  }
0xd1: {  	v7 =	vld [tilespmem:s7+$0x0]  }
0xd2: {  	v6 =	vld.idx.msk [tilespmem:v6+s3+$0x0], $0xffff  }
0xd3: {  	v8 =	vld [tilespmem:s7+$0x10]  }
0xd4: {  	v9 =	vld [tilespmem:s7+$0x20]  }
0xd5: {  	v10 =	vld [tilespmem:s7+$0x30]  }
0xd6: {  	v11 =	vld [tilespmem:s7+$0x40]  }
0xd7: {  	s5 =	sadd.s32 $0xE0, s5;
	v12 =	vld [tilespmem:s7+$0x50]  }
0xd8: {  	v13 =	vld [tilespmem:s7+$0xFFFFFF90];
	[tilespmem:s5+$0x60] =	vst v6  }
0xd9: {  	v0 =	vld.idx.msk [tilespmem:v0+s3+$0x0], $0xffff  }
0xda: {  	v1 =	vld.idx.msk [tilespmem:v1+s3+$0x0], $0xffff  }
0xdb: {  	v2 =	vld.idx.msk [tilespmem:v2+s3+$0x0], $0xffff  }
0xdc: {  	v3 =	vld.idx.msk [tilespmem:v3+s3+$0x0], $0xffff  }
0xdd: {  	v4 =	vld.idx.msk [tilespmem:v4+s3+$0x0], $0xffff  }
0xde: {  	v5 =	vld.idx.msk [tilespmem:v5+s3+$0x0], $0xffff  }
0xdf: {  	[tilespmem:s5+$0xFFFFFFA0] =	vst v0;
	v6 =	vld.idx.msk [tilespmem:v7+s3+$0x0], $0xffff  }
0xe0: {  	v0 =	vld.idx.msk [tilespmem:v13+s3+$0x0], $0xffff;
	[tilespmem:s5+$0xFFFFFFB0] =	vst v1  }
.Ltmp2:
0xe1: {  	[tilespmem:s5+$0xFFFFFFC0] =	vst v2;
	v1 =	vld.idx.msk [tilespmem:v8+s3+$0x0], $0xffff;
	(pc) =	sbr.rel @p1 .LBB2_6-.Ltmp2, $4  }
0xe2: {  	[tilespmem:s5+$0xFFFFFFD0] =	vst v3;
	v2 =	vld.idx.msk [tilespmem:v9+s3+$0x0], $0xffff  }
0xe3: {  	[tilespmem:s5+$0xFFFFFFE0] =	vst v4;
	v3 =	vld.idx.msk [tilespmem:v10+s3+$0x0], $0xffff  }
0xe4: {  	[tilespmem:s5+$0xFFFFFFF0] =	vst v5;
	v4 =	vld.idx.msk [tilespmem:v11+s3+$0x0], $0xffff  }
0xe5: {  	s7 =	sadd.s32 $0xE0, s7;
	[tilespmem:s5+$0x0] =	vst v6;
	v5 =	vld.idx.msk [tilespmem:v12+s3+$0x0], $0xffff  }
0xe6: {  	[tilespmem:s5+$0xFFFFFF90] =	vst v0  }
0xe7: {  	[tilespmem:s5+$0x10] =	vst v1  }
0xe8: {  	[tilespmem:s5+$0x20] =	vst v2  }
0xe9: {  	[tilespmem:s5+$0x30] =	vst v3  }
0xea: {  	[tilespmem:s5+$0x40] =	vst v4  }
0xeb: {  	[tilespmem:s5+$0x50] =	vst v5  }
0xec: {  	[hbm4b:s10+s3] =	stream.linear.scatter [tilespmem:s30], [sflag:$0x3], $0x3640, $0x38;
	[tilespmem:$0xD968] =	vst v63  }
0xed: {  	_ = 	snop  }
0xee: {  	[tilespmem:s26], [sflag:$0x1] =	stream.linear.gather [hbm4b:s11+s3], $0x3640, $0x38;
	[tilespmem:$0xD968] =	vst v63  }
0xef: {  	_ =	swait.ge [sflag:s2], $0x3640  }
0xf0: {  	[sflag:s2] =	ssyncset.done $0x0  }
0xf1: {  	[sflag:s2] =	ssyncadd.s32 $0xFFFFC9C0  }
0xf2: {  	_ =	swait.ge [sflag:s31], $0x3640  }
0xf3: {  	[sflag:s31] =	ssyncset.done $0x0  }
0xf4: {  	s7 =	simm.s32 $0x3718;
	[sflag:s31] =	ssyncadd.s32 $0xFFFFC9C0  }
0xf5: {  	v0 =	vld [tilespmem:s7+$0x60]  }
0xf6: {  	v1 =	vld [tilespmem:s7+$0xFFFFFFA0]  }
0xf7: {  	v2 =	vld [tilespmem:s7+$0xFFFFFFB0]  }
0xf8: {  	v3 =	vld [tilespmem:s7+$0xFFFFFFC0]  }
0xf9: {  	v4 =	vld [tilespmem:s7+$0xFFFFFFD0]  }
0xfa: {  	v5 =	vld [tilespmem:s7+$0xFFFFFFE0]  }
0xfb: {  	v6 =	vld [tilespmem:s7+$0xFFFFFFF0]  }
0xfc: {  	v7 =	vld [tilespmem:s7+$0x0]  }
0xfd: {  	v8 =	vld [tilespmem:s7+$0x10]  }
0xfe: {  	v9 =	vld [tilespmem:s7+$0x20]  }
0xff: {  	v10 =	vld [tilespmem:s7+$0x30]  }
0x100: {  	v11 =	vld [tilespmem:s7+$0x40]  }
0x101: {  	v12 =	vld [tilespmem:s7+$0x50]  }
0x102: {  	v13 =	vld [tilespmem:s7+$0xFFFFFF90]  }
0x103: {  	v0 =	vld.idx.msk [tilespmem:v0+s3+$0x0], $0xffff  }
0x104: {  	v1 =	vld.idx.msk [tilespmem:v1+s3+$0x0], $0xffff  }
0x105: {  	v2 =	vld.idx.msk [tilespmem:v2+s3+$0x0], $0xffff  }
0x106: {  	v3 =	vld.idx.msk [tilespmem:v3+s3+$0x0], $0xffff  }
0x107: {  	v4 =	vld.idx.msk [tilespmem:v4+s3+$0x0], $0xffff  }
0x108: {  	s5 =	simm.s32 $0xA398;
	v5 =	vld.idx.msk [tilespmem:v5+s3+$0x0], $0xffff  }
0x109: {  	v6 =	vld.idx.msk [tilespmem:v6+s3+$0x0], $0xffff;
	[tilespmem:s5+$0x60] =	vst v0  }
0x10a: {  	v7 =	vld.idx.msk [tilespmem:v7+s3+$0x0], $0xffff;
	[tilespmem:s5+$0xFFFFFFA0] =	vst v1  }
0x10b: {  	v0 =	vld.idx.msk [tilespmem:v13+s3+$0x0], $0xffff;
	[tilespmem:s5+$0xFFFFFFB0] =	vst v2  }
0x10c: {  	[tilespmem:s5+$0xFFFFFFC0] =	vst v3;
	v1 =	vld.idx.msk [tilespmem:v8+s3+$0x0], $0xffff  }
0x10d: {  	[tilespmem:s5+$0xFFFFFFD0] =	vst v4;
	v2 =	vld.idx.msk [tilespmem:v9+s3+$0x0], $0xffff  }
0x10e: {  	[tilespmem:s5+$0xFFFFFFE0] =	vst v5;
	v3 =	vld.idx.msk [tilespmem:v10+s3+$0x0], $0xffff  }
0x10f: {  	[tilespmem:s5+$0xFFFFFFF0] =	vst v6;
	v4 =	vld.idx.msk [tilespmem:v11+s3+$0x0], $0xffff  }
0x110: {  	s6 =	simm.s32 $0x0;
	s7 =	simm.s32 $0x37F8;
	[tilespmem:s5+$0x0] =	vst v7;
	v5 =	vld.idx.msk [tilespmem:v12+s3+$0x0], $0xffff  }
.LBB2_8:
0x111: {  	v6 =	vld [tilespmem:s7+$0x60];
	s6 =	sadd.s32 $0xE0, s6;
	[tilespmem:s5+$0xFFFFFF90] =	vst v0  }
0x112: {  	v0 =	vld [tilespmem:s7+$0xFFFFFFA0];
	p1 =	slt.u32 s6, $0x3560;
	[tilespmem:s5+$0x10] =	vst v1  }
0x113: {  	v1 =	vld [tilespmem:s7+$0xFFFFFFB0];
	[tilespmem:s5+$0x20] =	vst v2  }
0x114: {  	v2 =	vld [tilespmem:s7+$0xFFFFFFC0];
	[tilespmem:s5+$0x30] =	vst v3  }
0x115: {  	v3 =	vld [tilespmem:s7+$0xFFFFFFD0];
	[tilespmem:s5+$0x40] =	vst v4  }
0x116: {  	v4 =	vld [tilespmem:s7+$0xFFFFFFE0];
	[tilespmem:s5+$0x50] =	vst v5  }
0x117: {  	v5 =	vld [tilespmem:s7+$0xFFFFFFF0]  }
0x118: {  	v7 =	vld [tilespmem:s7+$0x0]  }
0x119: {  	v6 =	vld.idx.msk [tilespmem:v6+s3+$0x0], $0xffff  }
0x11a: {  	v8 =	vld [tilespmem:s7+$0x10]  }
0x11b: {  	v9 =	vld [tilespmem:s7+$0x20]  }
0x11c: {  	v10 =	vld [tilespmem:s7+$0x30]  }
0x11d: {  	v11 =	vld [tilespmem:s7+$0x40]  }
0x11e: {  	s5 =	sadd.s32 $0xE0, s5;
	v12 =	vld [tilespmem:s7+$0x50]  }
0x11f: {  	v13 =	vld [tilespmem:s7+$0xFFFFFF90];
	[tilespmem:s5+$0x60] =	vst v6  }
0x120: {  	v0 =	vld.idx.msk [tilespmem:v0+s3+$0x0], $0xffff  }
0x121: {  	v1 =	vld.idx.msk [tilespmem:v1+s3+$0x0], $0xffff  }
0x122: {  	v2 =	vld.idx.msk [tilespmem:v2+s3+$0x0], $0xffff  }
0x123: {  	v3 =	vld.idx.msk [tilespmem:v3+s3+$0x0], $0xffff  }
0x124: {  	v4 =	vld.idx.msk [tilespmem:v4+s3+$0x0], $0xffff  }
0x125: {  	v5 =	vld.idx.msk [tilespmem:v5+s3+$0x0], $0xffff  }
0x126: {  	[tilespmem:s5+$0xFFFFFFA0] =	vst v0;
	v6 =	vld.idx.msk [tilespmem:v7+s3+$0x0], $0xffff  }
0x127: {  	v0 =	vld.idx.msk [tilespmem:v13+s3+$0x0], $0xffff;
	[tilespmem:s5+$0xFFFFFFB0] =	vst v1  }
.Ltmp3:
0x128: {  	[tilespmem:s5+$0xFFFFFFC0] =	vst v2;
	v1 =	vld.idx.msk [tilespmem:v8+s3+$0x0], $0xffff;
	(pc) =	sbr.rel @p1 .LBB2_8-.Ltmp3, $4  }
0x129: {  	[tilespmem:s5+$0xFFFFFFD0] =	vst v3;
	v2 =	vld.idx.msk [tilespmem:v9+s3+$0x0], $0xffff  }
0x12a: {  	[tilespmem:s5+$0xFFFFFFE0] =	vst v4;
	v3 =	vld.idx.msk [tilespmem:v10+s3+$0x0], $0xffff  }
0x12b: {  	[tilespmem:s5+$0xFFFFFFF0] =	vst v5;
	v4 =	vld.idx.msk [tilespmem:v11+s3+$0x0], $0xffff  }
0x12c: {  	s7 =	sadd.s32 $0xE0, s7;
	[tilespmem:s5+$0x0] =	vst v6;
	v5 =	vld.idx.msk [tilespmem:v12+s3+$0x0], $0xffff  }
0x12d: {  	[tilespmem:s5+$0xFFFFFF90] =	vst v0  }
0x12e: {  	[tilespmem:s5+$0x10] =	vst v1  }
0x12f: {  	[tilespmem:s5+$0x20] =	vst v2  }
0x130: {  	[tilespmem:s5+$0x30] =	vst v3  }
0x131: {  	[tilespmem:s5+$0x40] =	vst v4  }
0x132: {  	[tilespmem:s5+$0x50] =	vst v5  }
0x133: {  	[hbm4b:s12+s3] =	stream.linear.scatter [tilespmem:s1], [sflag:$0x4], $0x3640, $0x38;
	[tilespmem:$0xD968] =	vst v63  }
0x134: {  	_ = 	snop  }
0x135: {  	[tilespmem:s28], [sflag:$0x2] =	stream.linear.gather [hbm4b:s13+s3], $0x3640, $0x38;
	[tilespmem:$0xD968] =	vst v63  }
0x136: {  	_ =	swait.ge [sflag:s0], $0x3640  }
0x137: {  	[sflag:s0] =	ssyncset.done $0x0  }
0x138: {  	[sflag:s0] =	ssyncadd.s32 $0xFFFFC9C0  }
0x139: {  	_ =	swait.ge [sflag:s29], $0x3640  }
0x13a: {  	[sflag:s29] =	ssyncset.done $0x0  }
0x13b: {  	s7 =	simm.s32 $0xD8;
	[sflag:s29] =	ssyncadd.s32 $0xFFFFC9C0  }
0x13c: {  	v0 =	vld [tilespmem:s7+$0x60]  }
0x13d: {  	v1 =	vld [tilespmem:s7+$0xFFFFFFA0]  }
0x13e: {  	v2 =	vld [tilespmem:s7+$0xFFFFFFB0]  }
0x13f: {  	v3 =	vld [tilespmem:s7+$0xFFFFFFC0]  }
0x140: {  	v4 =	vld [tilespmem:s7+$0xFFFFFFD0]  }
0x141: {  	v5 =	vld [tilespmem:s7+$0xFFFFFFE0]  }
0x142: {  	v6 =	vld [tilespmem:s7+$0xFFFFFFF0]  }
0x143: {  	v7 =	vld [tilespmem:s7+$0x0]  }
0x144: {  	v8 =	vld [tilespmem:s7+$0x10]  }
0x145: {  	v9 =	vld [tilespmem:s7+$0x20]  }
0x146: {  	v10 =	vld [tilespmem:s7+$0x30]  }
0x147: {  	v11 =	vld [tilespmem:s7+$0x40]  }
0x148: {  	v12 =	vld [tilespmem:s7+$0x50]  }
0x149: {  	v13 =	vld [tilespmem:s7+$0xFFFFFF90]  }
0x14a: {  	v0 =	vld.idx.msk [tilespmem:v0+s3+$0x0], $0xffff  }
0x14b: {  	v1 =	vld.idx.msk [tilespmem:v1+s3+$0x0], $0xffff  }
0x14c: {  	v2 =	vld.idx.msk [tilespmem:v2+s3+$0x0], $0xffff  }
0x14d: {  	v3 =	vld.idx.msk [tilespmem:v3+s3+$0x0], $0xffff  }
0x14e: {  	v4 =	vld.idx.msk [tilespmem:v4+s3+$0x0], $0xffff  }
0x14f: {  	s5 =	simm.s32 $0x6D58;
	v5 =	vld.idx.msk [tilespmem:v5+s3+$0x0], $0xffff  }
0x150: {  	v6 =	vld.idx.msk [tilespmem:v6+s3+$0x0], $0xffff;
	[tilespmem:s5+$0x60] =	vst v0  }
0x151: {  	v7 =	vld.idx.msk [tilespmem:v7+s3+$0x0], $0xffff;
	[tilespmem:s5+$0xFFFFFFA0] =	vst v1  }
0x152: {  	v0 =	vld.idx.msk [tilespmem:v13+s3+$0x0], $0xffff;
	[tilespmem:s5+$0xFFFFFFB0] =	vst v2  }
0x153: {  	[tilespmem:s5+$0xFFFFFFC0] =	vst v3;
	v1 =	vld.idx.msk [tilespmem:v8+s3+$0x0], $0xffff  }
0x154: {  	[tilespmem:s5+$0xFFFFFFD0] =	vst v4;
	v2 =	vld.idx.msk [tilespmem:v9+s3+$0x0], $0xffff  }
0x155: {  	[tilespmem:s5+$0xFFFFFFE0] =	vst v5;
	v3 =	vld.idx.msk [tilespmem:v10+s3+$0x0], $0xffff  }
0x156: {  	[tilespmem:s5+$0xFFFFFFF0] =	vst v6;
	v4 =	vld.idx.msk [tilespmem:v11+s3+$0x0], $0xffff  }
0x157: {  	s6 =	simm.s32 $0x0;
	s7 =	simm.s32 $0x1B8;
	[tilespmem:s5+$0x0] =	vst v7;
	v5 =	vld.idx.msk [tilespmem:v12+s3+$0x0], $0xffff  }
.LBB2_10:
0x158: {  	v6 =	vld [tilespmem:s7+$0x60];
	s6 =	sadd.s32 $0xE0, s6;
	[tilespmem:s5+$0xFFFFFF90] =	vst v0  }
0x159: {  	v0 =	vld [tilespmem:s7+$0xFFFFFFA0];
	p1 =	slt.u32 s6, $0x3560;
	[tilespmem:s5+$0x10] =	vst v1  }
0x15a: {  	v1 =	vld [tilespmem:s7+$0xFFFFFFB0];
	[tilespmem:s5+$0x20] =	vst v2  }
0x15b: {  	v2 =	vld [tilespmem:s7+$0xFFFFFFC0];
	[tilespmem:s5+$0x30] =	vst v3  }
0x15c: {  	v3 =	vld [tilespmem:s7+$0xFFFFFFD0];
	[tilespmem:s5+$0x40] =	vst v4  }
0x15d: {  	v4 =	vld [tilespmem:s7+$0xFFFFFFE0];
	[tilespmem:s5+$0x50] =	vst v5  }
0x15e: {  	v5 =	vld [tilespmem:s7+$0xFFFFFFF0]  }
0x15f: {  	v7 =	vld [tilespmem:s7+$0x0]  }
0x160: {  	v6 =	vld.idx.msk [tilespmem:v6+s3+$0x0], $0xffff  }
0x161: {  	v8 =	vld [tilespmem:s7+$0x10]  }
0x162: {  	v9 =	vld [tilespmem:s7+$0x20]  }
0x163: {  	v10 =	vld [tilespmem:s7+$0x30]  }
0x164: {  	v11 =	vld [tilespmem:s7+$0x40]  }
0x165: {  	s5 =	sadd.s32 $0xE0, s5;
	v12 =	vld [tilespmem:s7+$0x50]  }
0x166: {  	v13 =	vld [tilespmem:s7+$0xFFFFFF90];
	[tilespmem:s5+$0x60] =	vst v6  }
0x167: {  	v0 =	vld.idx.msk [tilespmem:v0+s3+$0x0], $0xffff  }
0x168: {  	v1 =	vld.idx.msk [tilespmem:v1+s3+$0x0], $0xffff  }
0x169: {  	v2 =	vld.idx.msk [tilespmem:v2+s3+$0x0], $0xffff  }
0x16a: {  	v3 =	vld.idx.msk [tilespmem:v3+s3+$0x0], $0xffff  }
0x16b: {  	v4 =	vld.idx.msk [tilespmem:v4+s3+$0x0], $0xffff  }
0x16c: {  	v5 =	vld.idx.msk [tilespmem:v5+s3+$0x0], $0xffff  }
0x16d: {  	[tilespmem:s5+$0xFFFFFFA0] =	vst v0;
	v6 =	vld.idx.msk [tilespmem:v7+s3+$0x0], $0xffff  }
0x16e: {  	v0 =	vld.idx.msk [tilespmem:v13+s3+$0x0], $0xffff;
	[tilespmem:s5+$0xFFFFFFB0] =	vst v1  }
.Ltmp4:
0x16f: {  	[tilespmem:s5+$0xFFFFFFC0] =	vst v2;
	v1 =	vld.idx.msk [tilespmem:v8+s3+$0x0], $0xffff;
	(pc) =	sbr.rel @p1 .LBB2_10-.Ltmp4, $4  }
0x170: {  	[tilespmem:s5+$0xFFFFFFD0] =	vst v3;
	v2 =	vld.idx.msk [tilespmem:v9+s3+$0x0], $0xffff  }
0x171: {  	[tilespmem:s5+$0xFFFFFFE0] =	vst v4;
	v3 =	vld.idx.msk [tilespmem:v10+s3+$0x0], $0xffff  }
0x172: {  	[tilespmem:s5+$0xFFFFFFF0] =	vst v5;
	v4 =	vld.idx.msk [tilespmem:v11+s3+$0x0], $0xffff  }
0x173: {  	s7 =	sadd.s32 $0xE0, s7;
	[tilespmem:s5+$0x0] =	vst v6;
	v5 =	vld.idx.msk [tilespmem:v12+s3+$0x0], $0xffff  }
0x174: {  	[tilespmem:s5+$0xFFFFFF90] =	vst v0  }
0x175: {  	[tilespmem:s5+$0x10] =	vst v1  }
0x176: {  	[tilespmem:s5+$0x20] =	vst v2  }
0x177: {  	[tilespmem:s5+$0x30] =	vst v3  }
0x178: {  	[tilespmem:s5+$0x40] =	vst v4  }
0x179: {  	[tilespmem:s5+$0x50] =	vst v5  }
0x17a: {  	[hbm4b:s14+s3] =	stream.linear.scatter [tilespmem:s30], [sflag:$0x3], $0x3640, $0x38;
	[tilespmem:$0xD968] =	vst v63  }
0x17b: {  	_ = 	snop  }
0x17c: {  	[tilespmem:s26], [sflag:$0x1] =	stream.linear.gather [hbm4b:s15+s3], $0x3640, $0x38;
	[tilespmem:$0xD968] =	vst v63  }
0x17d: {  	_ =	swait.ge [sflag:s2], $0x3640  }
0x17e: {  	[sflag:s2] =	ssyncset.done $0x0  }
0x17f: {  	[sflag:s2] =	ssyncadd.s32 $0xFFFFC9C0  }
0x180: {  	_ =	swait.ge [sflag:s31], $0x3640  }
0x181: {  	[sflag:s31] =	ssyncset.done $0x0  }
0x182: {  	s7 =	simm.s32 $0x3718;
	[sflag:s31] =	ssyncadd.s32 $0xFFFFC9C0  }
0x183: {  	v0 =	vld [tilespmem:s7+$0x60]  }
0x184: {  	v1 =	vld [tilespmem:s7+$0xFFFFFFA0]  }
0x185: {  	v2 =	vld [tilespmem:s7+$0xFFFFFFB0]  }
0x186: {  	v3 =	vld [tilespmem:s7+$0xFFFFFFC0]  }
0x187: {  	v4 =	vld [tilespmem:s7+$0xFFFFFFD0]  }
0x188: {  	v5 =	vld [tilespmem:s7+$0xFFFFFFE0]  }
0x189: {  	v6 =	vld [tilespmem:s7+$0xFFFFFFF0]  }
0x18a: {  	v7 =	vld [tilespmem:s7+$0x0]  }
0x18b: {  	v8 =	vld [tilespmem:s7+$0x10]  }
0x18c: {  	v9 =	vld [tilespmem:s7+$0x20]  }
0x18d: {  	v10 =	vld [tilespmem:s7+$0x30]  }
0x18e: {  	v11 =	vld [tilespmem:s7+$0x40]  }
0x18f: {  	v12 =	vld [tilespmem:s7+$0x50]  }
0x190: {  	v13 =	vld [tilespmem:s7+$0xFFFFFF90]  }
0x191: {  	v0 =	vld.idx.msk [tilespmem:v0+s3+$0x0], $0xffff  }
0x192: {  	v1 =	vld.idx.msk [tilespmem:v1+s3+$0x0], $0xffff  }
0x193: {  	v2 =	vld.idx.msk [tilespmem:v2+s3+$0x0], $0xffff  }
0x194: {  	v3 =	vld.idx.msk [tilespmem:v3+s3+$0x0], $0xffff  }
0x195: {  	v4 =	vld.idx.msk [tilespmem:v4+s3+$0x0], $0xffff  }
0x196: {  	s5 =	simm.s32 $0xA398;
	v5 =	vld.idx.msk [tilespmem:v5+s3+$0x0], $0xffff  }
0x197: {  	v6 =	vld.idx.msk [tilespmem:v6+s3+$0x0], $0xffff;
	[tilespmem:s5+$0x60] =	vst v0  }
0x198: {  	v7 =	vld.idx.msk [tilespmem:v7+s3+$0x0], $0xffff;
	[tilespmem:s5+$0xFFFFFFA0] =	vst v1  }
0x199: {  	v0 =	vld.idx.msk [tilespmem:v13+s3+$0x0], $0xffff;
	[tilespmem:s5+$0xFFFFFFB0] =	vst v2  }
0x19a: {  	[tilespmem:s5+$0xFFFFFFC0] =	vst v3;
	v1 =	vld.idx.msk [tilespmem:v8+s3+$0x0], $0xffff  }
0x19b: {  	[tilespmem:s5+$0xFFFFFFD0] =	vst v4;
	v2 =	vld.idx.msk [tilespmem:v9+s3+$0x0], $0xffff  }
0x19c: {  	[tilespmem:s5+$0xFFFFFFE0] =	vst v5;
	v3 =	vld.idx.msk [tilespmem:v10+s3+$0x0], $0xffff  }
0x19d: {  	[tilespmem:s5+$0xFFFFFFF0] =	vst v6;
	v4 =	vld.idx.msk [tilespmem:v11+s3+$0x0], $0xffff  }
0x19e: {  	s6 =	simm.s32 $0x0;
	s7 =	simm.s32 $0x37F8;
	[tilespmem:s5+$0x0] =	vst v7;
	v5 =	vld.idx.msk [tilespmem:v12+s3+$0x0], $0xffff  }
.LBB2_12:
0x19f: {  	v6 =	vld [tilespmem:s7+$0x60];
	s6 =	sadd.s32 $0xE0, s6;
	[tilespmem:s5+$0xFFFFFF90] =	vst v0  }
0x1a0: {  	v0 =	vld [tilespmem:s7+$0xFFFFFFA0];
	p1 =	slt.u32 s6, $0x3560;
	[tilespmem:s5+$0x10] =	vst v1  }
0x1a1: {  	v1 =	vld [tilespmem:s7+$0xFFFFFFB0];
	[tilespmem:s5+$0x20] =	vst v2  }
0x1a2: {  	v2 =	vld [tilespmem:s7+$0xFFFFFFC0];
	[tilespmem:s5+$0x30] =	vst v3  }
0x1a3: {  	v3 =	vld [tilespmem:s7+$0xFFFFFFD0];
	[tilespmem:s5+$0x40] =	vst v4  }
0x1a4: {  	v4 =	vld [tilespmem:s7+$0xFFFFFFE0];
	[tilespmem:s5+$0x50] =	vst v5  }
0x1a5: {  	v5 =	vld [tilespmem:s7+$0xFFFFFFF0]  }
0x1a6: {  	v7 =	vld [tilespmem:s7+$0x0]  }
0x1a7: {  	v6 =	vld.idx.msk [tilespmem:v6+s3+$0x0], $0xffff  }
0x1a8: {  	v8 =	vld [tilespmem:s7+$0x10]  }
0x1a9: {  	v9 =	vld [tilespmem:s7+$0x20]  }
0x1aa: {  	v10 =	vld [tilespmem:s7+$0x30]  }
0x1ab: {  	v11 =	vld [tilespmem:s7+$0x40]  }
0x1ac: {  	s5 =	sadd.s32 $0xE0, s5;
	v12 =	vld [tilespmem:s7+$0x50]  }
0x1ad: {  	v13 =	vld [tilespmem:s7+$0xFFFFFF90];
	[tilespmem:s5+$0x60] =	vst v6  }
0x1ae: {  	v0 =	vld.idx.msk [tilespmem:v0+s3+$0x0], $0xffff  }
0x1af: {  	v1 =	vld.idx.msk [tilespmem:v1+s3+$0x0], $0xffff  }
0x1b0: {  	v2 =	vld.idx.msk [tilespmem:v2+s3+$0x0], $0xffff  }
0x1b1: {  	v3 =	vld.idx.msk [tilespmem:v3+s3+$0x0], $0xffff  }
0x1b2: {  	v4 =	vld.idx.msk [tilespmem:v4+s3+$0x0], $0xffff  }
0x1b3: {  	v5 =	vld.idx.msk [tilespmem:v5+s3+$0x0], $0xffff  }
0x1b4: {  	[tilespmem:s5+$0xFFFFFFA0] =	vst v0;
	v6 =	vld.idx.msk [tilespmem:v7+s3+$0x0], $0xffff  }
0x1b5: {  	v0 =	vld.idx.msk [tilespmem:v13+s3+$0x0], $0xffff;
	[tilespmem:s5+$0xFFFFFFB0] =	vst v1  }
.Ltmp5:
0x1b6: {  	[tilespmem:s5+$0xFFFFFFC0] =	vst v2;
	v1 =	vld.idx.msk [tilespmem:v8+s3+$0x0], $0xffff;
	(pc) =	sbr.rel @p1 .LBB2_12-.Ltmp5, $4  }
0x1b7: {  	[tilespmem:s5+$0xFFFFFFD0] =	vst v3;
	v2 =	vld.idx.msk [tilespmem:v9+s3+$0x0], $0xffff  }
0x1b8: {  	[tilespmem:s5+$0xFFFFFFE0] =	vst v4;
	v3 =	vld.idx.msk [tilespmem:v10+s3+$0x0], $0xffff  }
0x1b9: {  	[tilespmem:s5+$0xFFFFFFF0] =	vst v5;
	v4 =	vld.idx.msk [tilespmem:v11+s3+$0x0], $0xffff  }
0x1ba: {  	s7 =	sadd.s32 $0xE0, s7;
	[tilespmem:s5+$0x0] =	vst v6;
	v5 =	vld.idx.msk [tilespmem:v12+s3+$0x0], $0xffff  }
0x1bb: {  	[tilespmem:s5+$0xFFFFFF90] =	vst v0  }
0x1bc: {  	[tilespmem:s5+$0x10] =	vst v1  }
0x1bd: {  	[tilespmem:s5+$0x20] =	vst v2  }
0x1be: {  	[tilespmem:s5+$0x30] =	vst v3  }
0x1bf: {  	[tilespmem:s5+$0x40] =	vst v4  }
0x1c0: {  	[tilespmem:s5+$0x50] =	vst v5  }
0x1c1: {  	[hbm4b:s16+s3] =	stream.linear.scatter [tilespmem:s1], [sflag:$0x4], $0x3640, $0x38;
	[tilespmem:$0xD968] =	vst v63  }
0x1c2: {  	_ = 	snop  }
0x1c3: {  	[tilespmem:s28], [sflag:$0x2] =	stream.linear.gather [hbm4b:s17+s3], $0x3640, $0x38;
	[tilespmem:$0xD968] =	vst v63  }
0x1c4: {  	_ =	swait.ge [sflag:s0], $0x3640  }
0x1c5: {  	[sflag:s0] =	ssyncset.done $0x0  }
0x1c6: {  	[sflag:s0] =	ssyncadd.s32 $0xFFFFC9C0  }
0x1c7: {  	_ =	swait.ge [sflag:s29], $0x3640  }
0x1c8: {  	[sflag:s29] =	ssyncset.done $0x0  }
0x1c9: {  	s7 =	simm.s32 $0xD8;
	[sflag:s29] =	ssyncadd.s32 $0xFFFFC9C0  }
0x1ca: {  	v0 =	vld [tilespmem:s7+$0x60]  }
0x1cb: {  	v1 =	vld [tilespmem:s7+$0xFFFFFFA0]  }
0x1cc: {  	v2 =	vld [tilespmem:s7+$0xFFFFFFB0]  }
0x1cd: {  	v3 =	vld [tilespmem:s7+$0xFFFFFFC0]  }
0x1ce: {  	v4 =	vld [tilespmem:s7+$0xFFFFFFD0]  }
0x1cf: {  	v5 =	vld [tilespmem:s7+$0xFFFFFFE0]  }
0x1d0: {  	v6 =	vld [tilespmem:s7+$0xFFFFFFF0]  }
0x1d1: {  	v7 =	vld [tilespmem:s7+$0x0]  }
0x1d2: {  	v8 =	vld [tilespmem:s7+$0x10]  }
0x1d3: {  	v9 =	vld [tilespmem:s7+$0x20]  }
0x1d4: {  	v10 =	vld [tilespmem:s7+$0x30]  }
0x1d5: {  	v11 =	vld [tilespmem:s7+$0x40]  }
0x1d6: {  	v12 =	vld [tilespmem:s7+$0x50]  }
0x1d7: {  	v13 =	vld [tilespmem:s7+$0xFFFFFF90]  }
0x1d8: {  	v0 =	vld.idx.msk [tilespmem:v0+s3+$0x0], $0xffff  }
0x1d9: {  	v1 =	vld.idx.msk [tilespmem:v1+s3+$0x0], $0xffff  }
0x1da: {  	v2 =	vld.idx.msk [tilespmem:v2+s3+$0x0], $0xffff  }
0x1db: {  	v3 =	vld.idx.msk [tilespmem:v3+s3+$0x0], $0xffff  }
0x1dc: {  	v4 =	vld.idx.msk [tilespmem:v4+s3+$0x0], $0xffff  }
0x1dd: {  	s5 =	simm.s32 $0x6D58;
	v5 =	vld.idx.msk [tilespmem:v5+s3+$0x0], $0xffff  }
0x1de: {  	v6 =	vld.idx.msk [tilespmem:v6+s3+$0x0], $0xffff;
	[tilespmem:s5+$0x60] =	vst v0  }
0x1df: {  	v7 =	vld.idx.msk [tilespmem:v7+s3+$0x0], $0xffff;
	[tilespmem:s5+$0xFFFFFFA0] =	vst v1  }
0x1e0: {  	v0 =	vld.idx.msk [tilespmem:v13+s3+$0x0], $0xffff;
	[tilespmem:s5+$0xFFFFFFB0] =	vst v2  }
0x1e1: {  	[tilespmem:s5+$0xFFFFFFC0] =	vst v3;
	v1 =	vld.idx.msk [tilespmem:v8+s3+$0x0], $0xffff  }
0x1e2: {  	[tilespmem:s5+$0xFFFFFFD0] =	vst v4;
	v2 =	vld.idx.msk [tilespmem:v9+s3+$0x0], $0xffff  }
0x1e3: {  	[tilespmem:s5+$0xFFFFFFE0] =	vst v5;
	v3 =	vld.idx.msk [tilespmem:v10+s3+$0x0], $0xffff  }
0x1e4: {  	[tilespmem:s5+$0xFFFFFFF0] =	vst v6;
	v4 =	vld.idx.msk [tilespmem:v11+s3+$0x0], $0xffff  }
0x1e5: {  	s6 =	simm.s32 $0x0;
	s7 =	simm.s32 $0x1B8;
	[tilespmem:s5+$0x0] =	vst v7;
	v5 =	vld.idx.msk [tilespmem:v12+s3+$0x0], $0xffff  }
.LBB2_14:
0x1e6: {  	v6 =	vld [tilespmem:s7+$0x60];
	s6 =	sadd.s32 $0xE0, s6;
	[tilespmem:s5+$0xFFFFFF90] =	vst v0  }
0x1e7: {  	v0 =	vld [tilespmem:s7+$0xFFFFFFA0];
	p1 =	slt.u32 s6, $0x3560;
	[tilespmem:s5+$0x10] =	vst v1  }
0x1e8: {  	v1 =	vld [tilespmem:s7+$0xFFFFFFB0];
	[tilespmem:s5+$0x20] =	vst v2  }
0x1e9: {  	v2 =	vld [tilespmem:s7+$0xFFFFFFC0];
	[tilespmem:s5+$0x30] =	vst v3  }
0x1ea: {  	v3 =	vld [tilespmem:s7+$0xFFFFFFD0];
	[tilespmem:s5+$0x40] =	vst v4  }
0x1eb: {  	v4 =	vld [tilespmem:s7+$0xFFFFFFE0];
	[tilespmem:s5+$0x50] =	vst v5  }
0x1ec: {  	v5 =	vld [tilespmem:s7+$0xFFFFFFF0]  }
0x1ed: {  	v7 =	vld [tilespmem:s7+$0x0]  }
0x1ee: {  	v6 =	vld.idx.msk [tilespmem:v6+s3+$0x0], $0xffff  }
0x1ef: {  	v8 =	vld [tilespmem:s7+$0x10]  }
0x1f0: {  	v9 =	vld [tilespmem:s7+$0x20]  }
0x1f1: {  	v10 =	vld [tilespmem:s7+$0x30]  }
0x1f2: {  	v11 =	vld [tilespmem:s7+$0x40]  }
0x1f3: {  	s5 =	sadd.s32 $0xE0, s5;
	v12 =	vld [tilespmem:s7+$0x50]  }
0x1f4: {  	v13 =	vld [tilespmem:s7+$0xFFFFFF90];
	[tilespmem:s5+$0x60] =	vst v6  }
0x1f5: {  	v0 =	vld.idx.msk [tilespmem:v0+s3+$0x0], $0xffff  }
0x1f6: {  	v1 =	vld.idx.msk [tilespmem:v1+s3+$0x0], $0xffff  }
0x1f7: {  	v2 =	vld.idx.msk [tilespmem:v2+s3+$0x0], $0xffff  }
0x1f8: {  	v3 =	vld.idx.msk [tilespmem:v3+s3+$0x0], $0xffff  }
0x1f9: {  	v4 =	vld.idx.msk [tilespmem:v4+s3+$0x0], $0xffff  }
0x1fa: {  	v5 =	vld.idx.msk [tilespmem:v5+s3+$0x0], $0xffff  }
0x1fb: {  	[tilespmem:s5+$0xFFFFFFA0] =	vst v0;
	v6 =	vld.idx.msk [tilespmem:v7+s3+$0x0], $0xffff  }
0x1fc: {  	v0 =	vld.idx.msk [tilespmem:v13+s3+$0x0], $0xffff;
	[tilespmem:s5+$0xFFFFFFB0] =	vst v1  }
.Ltmp6:
0x1fd: {  	[tilespmem:s5+$0xFFFFFFC0] =	vst v2;
	v1 =	vld.idx.msk [tilespmem:v8+s3+$0x0], $0xffff;
	(pc) =	sbr.rel @p1 .LBB2_14-.Ltmp6, $4  }
0x1fe: {  	[tilespmem:s5+$0xFFFFFFD0] =	vst v3;
	v2 =	vld.idx.msk [tilespmem:v9+s3+$0x0], $0xffff  }
0x1ff: {  	[tilespmem:s5+$0xFFFFFFE0] =	vst v4;
	v3 =	vld.idx.msk [tilespmem:v10+s3+$0x0], $0xffff  }
0x200: {  	[tilespmem:s5+$0xFFFFFFF0] =	vst v5;
	v4 =	vld.idx.msk [tilespmem:v11+s3+$0x0], $0xffff  }
0x201: {  	s7 =	sadd.s32 $0xE0, s7;
	[tilespmem:s5+$0x0] =	vst v6;
	v5 =	vld.idx.msk [tilespmem:v12+s3+$0x0], $0xffff  }
0x202: {  	[tilespmem:s5+$0xFFFFFF90] =	vst v0  }
0x203: {  	[tilespmem:s5+$0x10] =	vst v1  }
0x204: {  	[tilespmem:s5+$0x20] =	vst v2  }
0x205: {  	[tilespmem:s5+$0x30] =	vst v3  }
0x206: {  	[tilespmem:s5+$0x40] =	vst v4  }
0x207: {  	[tilespmem:s5+$0x50] =	vst v5  }
0x208: {  	[hbm4b:s18+s3] =	stream.linear.scatter [tilespmem:s30], [sflag:$0x3], $0x3640, $0x38;
	[tilespmem:$0xD968] =	vst v63  }
0x209: {  	_ = 	snop  }
0x20a: {  	[tilespmem:s26], [sflag:$0x1] =	stream.linear.gather [hbm4b:s19+s3], $0x3640, $0x38;
	[tilespmem:$0xD968] =	vst v63  }
0x20b: {  	_ =	swait.ge [sflag:s2], $0x3640  }
0x20c: {  	[sflag:s2] =	ssyncset.done $0x0  }
0x20d: {  	[sflag:s2] =	ssyncadd.s32 $0xFFFFC9C0  }
0x20e: {  	_ =	swait.ge [sflag:s31], $0x3640  }
0x20f: {  	[sflag:s31] =	ssyncset.done $0x0  }
0x210: {  	s7 =	simm.s32 $0x3718;
	[sflag:s31] =	ssyncadd.s32 $0xFFFFC9C0  }
0x211: {  	v0 =	vld [tilespmem:s7+$0x60]  }
0x212: {  	v1 =	vld [tilespmem:s7+$0xFFFFFFA0]  }
0x213: {  	v2 =	vld [tilespmem:s7+$0xFFFFFFB0]  }
0x214: {  	v3 =	vld [tilespmem:s7+$0xFFFFFFC0]  }
0x215: {  	v4 =	vld [tilespmem:s7+$0xFFFFFFD0]  }
0x216: {  	v5 =	vld [tilespmem:s7+$0xFFFFFFE0]  }
0x217: {  	v6 =	vld [tilespmem:s7+$0xFFFFFFF0]  }
0x218: {  	v7 =	vld [tilespmem:s7+$0x0]  }
0x219: {  	v8 =	vld [tilespmem:s7+$0x10]  }
0x21a: {  	v9 =	vld [tilespmem:s7+$0x20]  }
0x21b: {  	v10 =	vld [tilespmem:s7+$0x30]  }
0x21c: {  	v11 =	vld [tilespmem:s7+$0x40]  }
0x21d: {  	v12 =	vld [tilespmem:s7+$0x50]  }
0x21e: {  	v13 =	vld [tilespmem:s7+$0xFFFFFF90]  }
0x21f: {  	v0 =	vld.idx.msk [tilespmem:v0+s3+$0x0], $0xffff  }
0x220: {  	v1 =	vld.idx.msk [tilespmem:v1+s3+$0x0], $0xffff  }
0x221: {  	v2 =	vld.idx.msk [tilespmem:v2+s3+$0x0], $0xffff  }
0x222: {  	v3 =	vld.idx.msk [tilespmem:v3+s3+$0x0], $0xffff  }
0x223: {  	v4 =	vld.idx.msk [tilespmem:v4+s3+$0x0], $0xffff  }
0x224: {  	s5 =	simm.s32 $0xA398;
	v5 =	vld.idx.msk [tilespmem:v5+s3+$0x0], $0xffff  }
0x225: {  	v6 =	vld.idx.msk [tilespmem:v6+s3+$0x0], $0xffff;
	[tilespmem:s5+$0x60] =	vst v0  }
0x226: {  	v7 =	vld.idx.msk [tilespmem:v7+s3+$0x0], $0xffff;
	[tilespmem:s5+$0xFFFFFFA0] =	vst v1  }
0x227: {  	v0 =	vld.idx.msk [tilespmem:v13+s3+$0x0], $0xffff;
	[tilespmem:s5+$0xFFFFFFB0] =	vst v2  }
0x228: {  	[tilespmem:s5+$0xFFFFFFC0] =	vst v3;
	v1 =	vld.idx.msk [tilespmem:v8+s3+$0x0], $0xffff  }
0x229: {  	[tilespmem:s5+$0xFFFFFFD0] =	vst v4;
	v2 =	vld.idx.msk [tilespmem:v9+s3+$0x0], $0xffff  }
0x22a: {  	[tilespmem:s5+$0xFFFFFFE0] =	vst v5;
	v3 =	vld.idx.msk [tilespmem:v10+s3+$0x0], $0xffff  }
0x22b: {  	[tilespmem:s5+$0xFFFFFFF0] =	vst v6;
	v4 =	vld.idx.msk [tilespmem:v11+s3+$0x0], $0xffff  }
0x22c: {  	s6 =	simm.s32 $0x0;
	s7 =	simm.s32 $0x37F8;
	[tilespmem:s5+$0x0] =	vst v7;
	v5 =	vld.idx.msk [tilespmem:v12+s3+$0x0], $0xffff  }
.LBB2_16:
0x22d: {  	v6 =	vld [tilespmem:s7+$0x60];
	s6 =	sadd.s32 $0xE0, s6;
	[tilespmem:s5+$0xFFFFFF90] =	vst v0  }
0x22e: {  	v0 =	vld [tilespmem:s7+$0xFFFFFFA0];
	p1 =	slt.u32 s6, $0x3560;
	[tilespmem:s5+$0x10] =	vst v1  }
0x22f: {  	v1 =	vld [tilespmem:s7+$0xFFFFFFB0];
	[tilespmem:s5+$0x20] =	vst v2  }
0x230: {  	v2 =	vld [tilespmem:s7+$0xFFFFFFC0];
	[tilespmem:s5+$0x30] =	vst v3  }
0x231: {  	v3 =	vld [tilespmem:s7+$0xFFFFFFD0];
	[tilespmem:s5+$0x40] =	vst v4  }
0x232: {  	v4 =	vld [tilespmem:s7+$0xFFFFFFE0];
	[tilespmem:s5+$0x50] =	vst v5  }
0x233: {  	v5 =	vld [tilespmem:s7+$0xFFFFFFF0]  }
0x234: {  	v7 =	vld [tilespmem:s7+$0x0]  }
0x235: {  	v6 =	vld.idx.msk [tilespmem:v6+s3+$0x0], $0xffff  }
0x236: {  	v8 =	vld [tilespmem:s7+$0x10]  }
0x237: {  	v9 =	vld [tilespmem:s7+$0x20]  }
0x238: {  	v10 =	vld [tilespmem:s7+$0x30]  }
0x239: {  	v11 =	vld [tilespmem:s7+$0x40]  }
0x23a: {  	s5 =	sadd.s32 $0xE0, s5;
	v12 =	vld [tilespmem:s7+$0x50]  }
0x23b: {  	v13 =	vld [tilespmem:s7+$0xFFFFFF90];
	[tilespmem:s5+$0x60] =	vst v6  }
0x23c: {  	v0 =	vld.idx.msk [tilespmem:v0+s3+$0x0], $0xffff  }
0x23d: {  	v1 =	vld.idx.msk [tilespmem:v1+s3+$0x0], $0xffff  }
0x23e: {  	v2 =	vld.idx.msk [tilespmem:v2+s3+$0x0], $0xffff  }
0x23f: {  	v3 =	vld.idx.msk [tilespmem:v3+s3+$0x0], $0xffff  }
0x240: {  	v4 =	vld.idx.msk [tilespmem:v4+s3+$0x0], $0xffff  }
0x241: {  	v5 =	vld.idx.msk [tilespmem:v5+s3+$0x0], $0xffff  }
0x242: {  	[tilespmem:s5+$0xFFFFFFA0] =	vst v0;
	v6 =	vld.idx.msk [tilespmem:v7+s3+$0x0], $0xffff  }
0x243: {  	v0 =	vld.idx.msk [tilespmem:v13+s3+$0x0], $0xffff;
	[tilespmem:s5+$0xFFFFFFB0] =	vst v1  }
.Ltmp7:
0x244: {  	[tilespmem:s5+$0xFFFFFFC0] =	vst v2;
	v1 =	vld.idx.msk [tilespmem:v8+s3+$0x0], $0xffff;
	(pc) =	sbr.rel @p1 .LBB2_16-.Ltmp7, $4  }
0x245: {  	[tilespmem:s5+$0xFFFFFFD0] =	vst v3;
	v2 =	vld.idx.msk [tilespmem:v9+s3+$0x0], $0xffff  }
0x246: {  	[tilespmem:s5+$0xFFFFFFE0] =	vst v4;
	v3 =	vld.idx.msk [tilespmem:v10+s3+$0x0], $0xffff  }
0x247: {  	[tilespmem:s5+$0xFFFFFFF0] =	vst v5;
	v4 =	vld.idx.msk [tilespmem:v11+s3+$0x0], $0xffff  }
0x248: {  	s7 =	sadd.s32 $0xE0, s7;
	[tilespmem:s5+$0x0] =	vst v6;
	v5 =	vld.idx.msk [tilespmem:v12+s3+$0x0], $0xffff  }
0x249: {  	[tilespmem:s5+$0xFFFFFF90] =	vst v0  }
0x24a: {  	[tilespmem:s5+$0x10] =	vst v1  }
0x24b: {  	[tilespmem:s5+$0x20] =	vst v2  }
0x24c: {  	[tilespmem:s5+$0x30] =	vst v3  }
0x24d: {  	[tilespmem:s5+$0x40] =	vst v4  }
0x24e: {  	[tilespmem:s5+$0x50] =	vst v5  }
0x24f: {  	[hbm4b:s20+s3] =	stream.linear.scatter [tilespmem:s1], [sflag:$0x4], $0x3640, $0x38;
	[tilespmem:$0xD968] =	vst v63  }
0x250: {  	_ =	swait.ge [sflag:s0], $0x3640  }
0x251: {  	[sflag:s0] =	ssyncset.done $0x0  }
0x252: {  	[sflag:s0] =	ssyncadd.s32 $0xFFFFC9C0  }
0x253: {  	_ =	swait.ge [sflag:s29], $0x3640  }
0x254: {  	[sflag:s29] =	ssyncset.done $0x0  }
0x255: {  	s7 =	simm.s32 $0xD8;
	[sflag:s29] =	ssyncadd.s32 $0xFFFFC9C0  }
0x256: {  	v0 =	vld [tilespmem:s7+$0x60]  }
0x257: {  	v1 =	vld [tilespmem:s7+$0xFFFFFFA0]  }
0x258: {  	v2 =	vld [tilespmem:s7+$0xFFFFFFB0]  }
0x259: {  	v3 =	vld [tilespmem:s7+$0xFFFFFFC0]  }
0x25a: {  	v4 =	vld [tilespmem:s7+$0xFFFFFFD0]  }
0x25b: {  	v5 =	vld [tilespmem:s7+$0xFFFFFFE0]  }
0x25c: {  	v6 =	vld [tilespmem:s7+$0xFFFFFFF0]  }
0x25d: {  	v7 =	vld [tilespmem:s7+$0x0]  }
0x25e: {  	v8 =	vld [tilespmem:s7+$0x10]  }
0x25f: {  	v9 =	vld [tilespmem:s7+$0x20]  }
0x260: {  	v10 =	vld [tilespmem:s7+$0x30]  }
0x261: {  	v11 =	vld [tilespmem:s7+$0x40]  }
0x262: {  	v12 =	vld [tilespmem:s7+$0x50]  }
0x263: {  	v13 =	vld [tilespmem:s7+$0xFFFFFF90]  }
0x264: {  	v0 =	vld.idx.msk [tilespmem:v0+s3+$0x0], $0xffff  }
0x265: {  	v1 =	vld.idx.msk [tilespmem:v1+s3+$0x0], $0xffff  }
0x266: {  	v2 =	vld.idx.msk [tilespmem:v2+s3+$0x0], $0xffff  }
0x267: {  	v3 =	vld.idx.msk [tilespmem:v3+s3+$0x0], $0xffff  }
0x268: {  	v4 =	vld.idx.msk [tilespmem:v4+s3+$0x0], $0xffff  }
0x269: {  	s5 =	simm.s32 $0x6D58;
	v5 =	vld.idx.msk [tilespmem:v5+s3+$0x0], $0xffff  }
0x26a: {  	v6 =	vld.idx.msk [tilespmem:v6+s3+$0x0], $0xffff;
	[tilespmem:s5+$0x60] =	vst v0  }
0x26b: {  	v7 =	vld.idx.msk [tilespmem:v7+s3+$0x0], $0xffff;
	[tilespmem:s5+$0xFFFFFFA0] =	vst v1  }
0x26c: {  	v0 =	vld.idx.msk [tilespmem:v13+s3+$0x0], $0xffff;
	[tilespmem:s5+$0xFFFFFFB0] =	vst v2  }
0x26d: {  	[tilespmem:s5+$0xFFFFFFC0] =	vst v3;
	v1 =	vld.idx.msk [tilespmem:v8+s3+$0x0], $0xffff  }
0x26e: {  	[tilespmem:s5+$0xFFFFFFD0] =	vst v4;
	v2 =	vld.idx.msk [tilespmem:v9+s3+$0x0], $0xffff  }
0x26f: {  	[tilespmem:s5+$0xFFFFFFE0] =	vst v5;
	v3 =	vld.idx.msk [tilespmem:v10+s3+$0x0], $0xffff  }
0x270: {  	[tilespmem:s5+$0xFFFFFFF0] =	vst v6;
	v4 =	vld.idx.msk [tilespmem:v11+s3+$0x0], $0xffff  }
0x271: {  	s6 =	simm.s32 $0x0;
	s7 =	simm.s32 $0x1B8;
	[tilespmem:s5+$0x0] =	vst v7;
	v5 =	vld.idx.msk [tilespmem:v12+s3+$0x0], $0xffff  }
.LBB2_18:
0x272: {  	v6 =	vld [tilespmem:s7+$0x60];
	s6 =	sadd.s32 $0xE0, s6;
	[tilespmem:s5+$0xFFFFFF90] =	vst v0  }
0x273: {  	v0 =	vld [tilespmem:s7+$0xFFFFFFA0];
	p1 =	slt.u32 s6, $0x3560;
	[tilespmem:s5+$0x10] =	vst v1  }
0x274: {  	v1 =	vld [tilespmem:s7+$0xFFFFFFB0];
	[tilespmem:s5+$0x20] =	vst v2  }
0x275: {  	v2 =	vld [tilespmem:s7+$0xFFFFFFC0];
	[tilespmem:s5+$0x30] =	vst v3  }
0x276: {  	v3 =	vld [tilespmem:s7+$0xFFFFFFD0];
	[tilespmem:s5+$0x40] =	vst v4  }
0x277: {  	v4 =	vld [tilespmem:s7+$0xFFFFFFE0];
	[tilespmem:s5+$0x50] =	vst v5  }
0x278: {  	v5 =	vld [tilespmem:s7+$0xFFFFFFF0]  }
0x279: {  	v7 =	vld [tilespmem:s7+$0x0]  }
0x27a: {  	v6 =	vld.idx.msk [tilespmem:v6+s3+$0x0], $0xffff  }
0x27b: {  	v8 =	vld [tilespmem:s7+$0x10]  }
0x27c: {  	v9 =	vld [tilespmem:s7+$0x20]  }
0x27d: {  	v10 =	vld [tilespmem:s7+$0x30]  }
0x27e: {  	v11 =	vld [tilespmem:s7+$0x40]  }
0x27f: {  	s5 =	sadd.s32 $0xE0, s5;
	v12 =	vld [tilespmem:s7+$0x50]  }
0x280: {  	v13 =	vld [tilespmem:s7+$0xFFFFFF90];
	[tilespmem:s5+$0x60] =	vst v6  }
0x281: {  	v0 =	vld.idx.msk [tilespmem:v0+s3+$0x0], $0xffff  }
0x282: {  	v1 =	vld.idx.msk [tilespmem:v1+s3+$0x0], $0xffff  }
0x283: {  	v2 =	vld.idx.msk [tilespmem:v2+s3+$0x0], $0xffff  }
0x284: {  	v3 =	vld.idx.msk [tilespmem:v3+s3+$0x0], $0xffff  }
0x285: {  	v4 =	vld.idx.msk [tilespmem:v4+s3+$0x0], $0xffff  }
0x286: {  	v5 =	vld.idx.msk [tilespmem:v5+s3+$0x0], $0xffff  }
0x287: {  	[tilespmem:s5+$0xFFFFFFA0] =	vst v0;
	v6 =	vld.idx.msk [tilespmem:v7+s3+$0x0], $0xffff  }
0x288: {  	v0 =	vld.idx.msk [tilespmem:v13+s3+$0x0], $0xffff;
	[tilespmem:s5+$0xFFFFFFB0] =	vst v1  }
.Ltmp8:
0x289: {  	[tilespmem:s5+$0xFFFFFFC0] =	vst v2;
	v1 =	vld.idx.msk [tilespmem:v8+s3+$0x0], $0xffff;
	(pc) =	sbr.rel @p1 .LBB2_18-.Ltmp8, $4  }
0x28a: {  	[tilespmem:s5+$0xFFFFFFD0] =	vst v3;
	v2 =	vld.idx.msk [tilespmem:v9+s3+$0x0], $0xffff  }
0x28b: {  	[tilespmem:s5+$0xFFFFFFE0] =	vst v4;
	v3 =	vld.idx.msk [tilespmem:v10+s3+$0x0], $0xffff  }
0x28c: {  	[tilespmem:s5+$0xFFFFFFF0] =	vst v5;
	v4 =	vld.idx.msk [tilespmem:v11+s3+$0x0], $0xffff  }
0x28d: {  	s7 =	sadd.s32 $0xE0, s7;
	[tilespmem:s5+$0x0] =	vst v6;
	v5 =	vld.idx.msk [tilespmem:v12+s3+$0x0], $0xffff  }
0x28e: {  	[tilespmem:s5+$0xFFFFFF90] =	vst v0  }
0x28f: {  	[tilespmem:s5+$0x10] =	vst v1  }
0x290: {  	[tilespmem:s5+$0x20] =	vst v2  }
0x291: {  	[tilespmem:s5+$0x30] =	vst v3  }
0x292: {  	[tilespmem:s5+$0x40] =	vst v4  }
0x293: {  	[tilespmem:s5+$0x50] =	vst v5  }
0x294: {  	[hbm4b:s21+s3] =	stream.linear.scatter [tilespmem:s30], [sflag:$0x3], $0x3640, $0x38;
	[tilespmem:$0xD968] =	vst v63  }
0x295: {  	_ =	swait.ge [sflag:s2], $0x3640  }
0x296: {  	[sflag:s2] =	ssyncset.done $0x0  }
0x297: {  	[sflag:s2] =	ssyncadd.s32 $0xFFFFC9C0  }
0x298: {  	_ =	swait.ge [sflag:s0], $0x3640  }
0x299: {  	[sflag:s0] =	ssyncset.done $0x0  }
0x29a: {  	s6 =	simm.s32 @!p0 $0x68;
	s5 =	simm.s32 @!p0 $0x0;
	[sflag:s0] =	ssyncadd.s32 $0xFFFFC9C0  }
0x29b: {  	[tilespmem:s6], [sflag:$0x5] =	stream.linear.gather @!p0 [hbm4b:s22+s5], $0x10, $0x38;
	[tilespmem:$0xD968] =	vst v63  }
0x29c: {  	s6 =	simm.s32 @!p0 $0x5  }
0x29d: {  	_ =	swait.ge @!p0 [sflag:s6], $0x10  }
0x29e: {  	[sflag:s6] =	ssyncset.done @!p0 $0x0  }
0x29f: {  	[sflag:s6] =	ssyncadd.s32 @!p0 $0xFFFFFFF0  }
0x2a0: {  	v0 =	vld @!p0 [tilespmem:$0x68];
	_ =	sdelay $0x7  }
0x2a1: {  	v0 =	vld.idx.msk @!p0 [tilespmem:v0+s5+$0x0], $0xffff;
	_ =	sdelay $0x2  }
0x2a2: {  	s4 =	sadd.s32 $0x1, s4  }
0x2a3: {  	p1 =	sne.s32 s4, s24  }
.Ltmp9:
0x2a4: {  	s7 =	simm.s32 @!p0 $0x6CE8;
	[tilespmem:$0x6CE8] =	vst @!p0 v0;
	(pc) =	sbr.rel @p1 .LBB2_1-.Ltmp9, $4  }
0x2a5: {  	[hbm4b:s23+s5] =	stream.linear.scatter @!p0 [tilespmem:s7], [sflag:$0x5], $0x10, $0x38;
	[tilespmem:$0xD968] =	vst v63  }
0x2a6: {  	_ =	swait.ge @!p0 [sflag:s6], $0x10  }
0x2a7: {  	[sflag:s6] =	ssyncset.done @!p0 $0x0  }
0x2a8: {  	[sflag:s6] =	ssyncadd.s32 @!p0 $0xFFFFFFF0  }
0x2a9: {  	_ =	sfence.sel $0x180000  }
0x2aa: {  	[bflag:$0x0] =	sbarrier.arrive $0xFFFF  }
0x2ab: {  	_ =	strace $0x90000047  }
0x2ac: {  	s0 =	stileid.u32;
	[bflag:$0x2] =	sbarrier.arrive $0xFFFF  }
0x2ad: {  	p0 =	sne.s32 s0, $0x0;
	s0 =	rddreg [dreg:$0x3]  }
0x2ae: {  	s0 =	sadd.s32 @!p0 $0x100000, s0  }
0x2af: {  	[sflag:s0] =	ssyncadd.tile.s32 @!p0 $0x1;
	_ =	shalt  }
.Lfunc_end2:
_tile_overlayer_lowered:
.L_overlay_start_2:
0x2b0: {  	(tag) =	ssettag $0x2  }
0x2b1: {  	s0 =	rddreg [dreg:$0x0];
	s2 =	stileid.u32  }
0x2b2: {  	s1 =	rddreg [dreg:$0x1];
	p0 =	sne.s32 s2, $0x0  }
0x2b3: {  	s3 =	rddreg [dreg:$0x2];
	[bflag:$0x3] =	sbarrier.arrive $0xFFFF;
	s2 =	simm.s32 @!p0 $0x1C05  }
0x2b4: {  	[timem:s3], [sflag:s2] =	dma.local @!p0 [hbm:s0], s1  }
0x2b5: {  	s0 =	simm.s32 @!p0 $0x5  }
0x2b6: {  	_ =	swait.ge @!p0 [sflag:s0], s1  }
0x2b7: {  	s1 =	ssub.s32 @!p0 $0x0, s1;
	[sflag:s0] =	ssyncset.done @!p0 $0x0  }
0x2b8: {  	[sflag:s0] =	ssyncadd.s32 @!p0 s1  }
0x2b9: {  	[bflag:$0x3] =	sbarrier.arrive $0xFFFF  }
0x2ba: {  	_ =	shalt  }

</sc_bundles>
